<compile_context>
chip_gen: v7x
topology: tpu7x:2x2x1
jax: 0.10.2.dev20260603
libtpu: 0.0.44.dev20260713+nightly
codegen_flags: <defaults>
</compile_context>

<pallas_src>
import functools

import jax
import jax.numpy as jnp
from jax import lax
from jax.experimental import pallas as pl
from jax.experimental.pallas import tpu as pltpu
from jax.experimental.pallas import tpu_sc as plsc

B = 4
T = 4096
D = 768
N_MOD = 4
MAX_SEQ = 4096

NC = 2
NS = 16
NW = NC * NS
ROW_W = NW // B
CHUNK = T // ROW_W
G = 16
NT = CHUNK // G
DEPTH = 4
DV = D // 16


def _body(tok_hbm, ids_hbm, pe_hbm, out_hbm,
          ids_v, idx_v, tok_v, pe_v, tok_sem, pe_sem, out_sem):
    cid = lax.axis_index("c")
    sid = lax.axis_index("s")
    wid = cid * NS + sid
    b = wid // ROW_W
    k = wid % ROW_W

    gbase = wid * CHUNK

    def in_tok(t, s):
        row = gbase + t * G
        return pltpu.make_async_copy(
            tok_hbm.at[pl.ds(row, G)], tok_v.at[s], tok_sem)

    in_tok(0, 0).start()

    pltpu.sync_copy(ids_hbm.at[b], ids_v)

    zeros = jnp.zeros((16,), jnp.int32)
    ones = jnp.ones((16,), jnp.int32)
    mvecs = [jnp.full((16,), m, jnp.int32) for m in range(N_MOD)]

    def pre_body(i, accs):
        v = ids_v[pl.ds(i * 16, 16)]
        return tuple(
            accs[m] + jnp.where(v == mvecs[m], ones, zeros)
            for m in range(N_MOD)
        )

    accs = lax.fori_loop(0, k * (CHUNK // 16), pre_body,
                         (zeros, zeros, zeros, zeros))
    cnts = tuple(jnp.sum(accs[m]) for m in range(N_MOD))

    base = k * CHUNK

    def rank_body(i, cnts):
        v = ids_v[pl.ds(base + i * 16, 16)]
        idx = v * jnp.full((16,), MAX_SEQ, jnp.int32)
        new = []
        for m in range(N_MOD):
            mk = jnp.where(v == mvecs[m], ones, zeros)
            pre = plsc.cumsum(mk)
            cnt_b = jnp.full((16,), cnts[m], jnp.int32)
            idx = idx + mk * (cnt_b + pre - ones)
            new.append(cnts[m] + jnp.sum(mk))
        idx_v[pl.ds(i * 16, 16)] = idx
        return tuple(new)

    lax.fori_loop(0, CHUNK // 16, rank_body, cnts)

    def in_pe(t, s):
        return pltpu.make_async_copy(
            pe_hbm.at[idx_v.at[pl.ds(t * G, G)]], pe_v.at[s], pe_sem)

    def out_cp(t, s):
        row = gbase + t * G
        return pltpu.make_async_copy(
            tok_v.at[s], out_hbm.at[pl.ds(row, G)], out_sem)

    in_pe(0, 0).start()
    for u in range(1, DEPTH - 1):
        in_tok(u, u).start()
        in_pe(u, u).start()

    def tile_body(t, _):
        s = lax.rem(t, DEPTH)
        u = t + DEPTH - 1
        su = lax.rem(u, DEPTH)

        @pl.when(u < NT)
        def _():
            @pl.when(t >= 1)
            def _():
                out_cp(t - 1, su).wait()

            in_tok(u, su).start()
            in_pe(u, su).start()

        in_tok(t, s).wait()
        in_pe(t, s).wait()

        def add_row(r, _):
            for j in range(DV):
                sl = pl.ds(j * 16, 16)
                plsc.addupdate(tok_v.at[s, r, sl], pe_v[s, r, sl])
            return 0

        lax.fori_loop(0, G, add_row, 0)
        out_cp(t, s).start()
        return 0

    lax.fori_loop(0, NT, tile_body, 0)
    for t in range(NT - DEPTH, NT):
        out_cp(t, t % DEPTH).wait()


@jax.jit
def kernel(token_embeddings, modality_ids, pos_tables):
    mesh = plsc.VectorSubcoreMesh(
        core_axis_name="c", subcore_axis_name="s", num_cores=NC, num_subcores=NS
    )
    kern = functools.partial(
        pl.kernel,
        mesh=mesh,
        compiler_params=pltpu.CompilerParams(needs_layout_passes=False),
        out_type=jax.ShapeDtypeStruct((B * T, D), jnp.float32),
        scratch_types=[
            pltpu.VMEM((T,), jnp.int32),
            pltpu.VMEM((CHUNK,), jnp.int32),
            pltpu.VMEM((DEPTH, G, D), jnp.float32),
            pltpu.VMEM((DEPTH, G, D), jnp.float32),
            pltpu.SemaphoreType.DMA,
            pltpu.SemaphoreType.DMA,
            pltpu.SemaphoreType.DMA,
        ],
    )(_body)
    out = kern(
        token_embeddings.reshape(B * T, D),
        modality_ids,
        pos_tables.reshape(N_MOD * MAX_SEQ, D),
    )
    return out.reshape(B, T, D)

# --- scband reference (transcript-rebuilt; emitter-appended) ---
"""Pipeline reference for scband-cross-modal-positional-encoding-48902497632813 (READ-ONLY COPY).

The authoritative reference and input builder live on the scoring server;
editing this copy changes nothing except your own understanding.
"""

import jax, jax.numpy as jnp
import numpy as np

B = 4
T = 4096
D_MODEL = 768
N_MOD = 4
MAX_SEQ = 4096


def _sinusoidal(n, d):
    positions = np.arange(n)[:, None].astype(np.float32)
    dims = np.arange(0, d, 2).astype(np.float32)
    angles = positions / (10000.0 ** (dims / d))
    pe = np.zeros((n, d), dtype=np.float32)
    pe[:, 0::2] = np.sin(angles)
    pe[:, 1::2] = np.cos(angles)
    return pe


def setup_inputs(seed: int = 0) -> dict:
    key = jax.random.key(seed)
    k1, k2 = jax.random.split(key)
    token_embeddings = jax.random.normal(k1, (B, T, D_MODEL), dtype=jnp.float32)
    modality_ids = jax.random.randint(k2, (B, T), 0, N_MOD, dtype=jnp.int32)
    # learned per-modality position tables, sinusoidally initialized as in the torch module
    pe = _sinusoidal(MAX_SEQ, D_MODEL)
    pos_tables = jnp.asarray(np.stack([pe for _ in range(N_MOD)], axis=0))  # [N_MOD, MAX_SEQ, D]
    return {"token_embeddings": token_embeddings, "modality_ids": modality_ids, "pos_tables": pos_tables}


def reference(token_embeddings, modality_ids, pos_tables):
    # For each modality, tokens of that modality within a sequence get position ids
    # 0..n-1 in order of appearance. rank = cumsum(mask) - 1 reproduces that exactly.
    out = token_embeddings
    for mod in range(N_MOD):
        mask = (modality_ids == mod)
        rank = jnp.cumsum(mask.astype(jnp.int32), axis=1) - 1
        rank = jnp.clip(rank, 0, MAX_SEQ - 1)
        pe = jnp.take(pos_tables[mod], rank, axis=0)  # [B, T, D] gather
        out = out + pe * mask[..., None].astype(out.dtype)
    return out

if __name__ == "__main__":
    import jax
    _d = setup_inputs()
    print(jax.jit(kernel)(*tuple(_d.values())))

</pallas_src>

<mosaic_0001>
#map = affine_map<(d0, d1) -> (0, 0)>
module attributes {stable_mosaic.version = 14 : i64} {
  func.func @_body(%arg0: i32, %arg1: i32, %arg2: memref<16384x768xf32, #tpu.memory_space<hbm>>, %arg3: memref<4x4096xi32, #tpu.memory_space<hbm>>, %arg4: memref<16384x768xf32, #tpu.memory_space<hbm>>, %arg5: memref<16384x768xf32, #tpu.memory_space<hbm>>, %arg6: memref<4096xi32, #tpu.memory_space<vmem>>, %arg7: memref<512xi32, #tpu.memory_space<vmem>>, %arg8: memref<4x16x768xf32, #tpu.memory_space<vmem>>, %arg9: memref<4x16x768xf32, #tpu.memory_space<vmem>>, %arg10: memref<!tpu.dma_semaphore, #tpu.memory_space<semaphore_mem>>, %arg11: memref<!tpu.dma_semaphore, #tpu.memory_space<semaphore_mem>>, %arg12: memref<!tpu.dma_semaphore, #tpu.memory_space<semaphore_mem>>) attributes {dimension_semantics = [#tpu.dimension_semantics<core_parallel>, #tpu.dimension_semantics<subcore_parallel>], iteration_bounds = array<i64: 2, 16>, scalar_prefetch = 0 : i64, scratch_operands = 7 : i64, tpu.core_type = #tpu.core_type<sc_vector_subcore>, window_params = [{transform_indices = #map}, {transform_indices = #map}, {transform_indices = #map}, {transform_indices = #map}]} {
    %mul3A = arith.constant 16 : i32
    %mul3A_0 = arith.muli %arg0, %mul3A : i32
    %add3A = arith.addi %mul3A_0, %arg1 : i32
    %jit3A = arith.constant 8 : i32
    %div3A = arith.divsi %add3A, %jit3A : i32
    %sign3A = arith.constant 0 : i32
    %sign3A_1 = arith.cmpi sgt, %add3A, %sign3A : i32
    %sign3A_2 = arith.extui %sign3A_1 : i1 to i32
    %sign3A_3 = arith.constant 0 : i32
    %sign3A_4 = arith.cmpi slt, %add3A, %sign3A_3 : i32
    %sign3A_5 = arith.extui %sign3A_4 : i1 to i32
    %sign3A_6 = arith.subi %sign3A_2, %sign3A_5 : i32
    %sign3A_7 = arith.constant 0 : i32
    %sign3A_8 = arith.cmpi sgt, %jit3A, %sign3A_7 : i32
    %sign3A_9 = arith.extui %sign3A_8 : i1 to i32
    %sign3A_10 = arith.constant 0 : i32
    %sign3A_11 = arith.cmpi slt, %jit3A, %sign3A_10 : i32
    %sign3A_12 = arith.extui %sign3A_11 : i1 to i32
    %sign3A_13 = arith.subi %sign3A_9, %sign3A_12 : i32
    %ne3A = arith.cmpi ne, %sign3A_6, %sign3A_13 : i32
    %rem3A = arith.remsi %add3A, %jit3A : i32
    %ne3A_14 = arith.constant 0 : i32
    %ne3A_15 = arith.cmpi ne, %rem3A, %ne3A_14 : i32
    %and3A = arith.andi %ne3A, %ne3A_15 : i1
    %sub3A = arith.constant 1 : i32
    %sub3A_16 = arith.subi %div3A, %sub3A : i32
    %select_n3A = arith.select %and3A, %sub3A_16, %div3A : i32
    %jit3A_17 = arith.constant 8 : i32
    %eq3A = arith.constant 0 : i32
    %eq3A_18 = arith.cmpi eq, %jit3A_17, %eq3A : i32
    %jit3A_19 = arith.constant 1 : i32
    %select_n3A_20 = arith.select %eq3A_18, %jit3A_19, %jit3A_17 : i32
    %rem3A_21 = arith.remsi %add3A, %select_n3A_20 : i32
    %ne3A_22 = arith.constant 0 : i32
    %ne3A_23 = arith.cmpi ne, %rem3A_21, %ne3A_22 : i32
    %lt3A = arith.constant 0 : i32
    %lt3A_24 = arith.cmpi slt, %rem3A_21, %lt3A : i32
    %lt3A_25 = arith.constant 0 : i32
    %lt3A_26 = arith.cmpi slt, %select_n3A_20, %lt3A_25 : i32
    %ne3A_27 = arith.xori %lt3A_24, %lt3A_26 : i1
    %and3A_28 = arith.andi %ne3A_27, %ne3A_23 : i1
    %add3A_29 = arith.addi %rem3A_21, %select_n3A_20 : i32
    %select_n3A_30 = arith.select %and3A_28, %add3A_29, %rem3A_21 : i32
    %mul3A_31 = arith.constant 512 : i32
    %mul3A_32 = arith.muli %add3A, %mul3A_31 : i32
    %add3A_33 = arith.constant 0 : i32
    %add3A_34 = arith.addi %mul3A_32, %add3A_33 : i32
    %dma_start3A = arith.constant 0 : i32
    %dma_start3A_35 = arith.constant 0 : i32
    %dma_start3A_36 = arith.constant 0 : i32
    %dma_start3A_37 = tpu.memref_slice %arg8[%dma_start3A, %dma_start3A_35, %dma_start3A_36] : memref<4x16x768xf32, #tpu.memory_space<vmem>> -> memref<1x16x768xf32, #tpu.memory_space<vmem>>
    %dma_start3A_38 = tpu.memref_squeeze %dma_start3A_37 : memref<1x16x768xf32, #tpu.memory_space<vmem>> -> memref<16x768xf32, #tpu.memory_space<vmem>>
    %dma_start3A_39 = arith.constant 0 : i32
    %dma_start3A_40 = tpu.memref_slice %arg2[%add3A_34, %dma_start3A_39] : memref<16384x768xf32, #tpu.memory_space<hbm>> -> memref<16x768xf32, #tpu.memory_space<hbm>>
    %dma_start3A_41 = arith.constant 0 : i32
    %dma_start3A_42 = arith.constant 0 : i32
    %dma_start3A_43 = tpu.memref_slice %arg8[%dma_start3A, %dma_start3A_41, %dma_start3A_42] : memref<4x16x768xf32, #tpu.memory_space<vmem>> -> memref<1x16x768xf32, #tpu.memory_space<vmem>>
    %dma_start3A_44 = tpu.memref_squeeze %dma_start3A_43 : memref<1x16x768xf32, #tpu.memory_space<vmem>> -> memref<16x768xf32, #tpu.memory_space<vmem>>
    %dma_start3A_45 = arith.constant 0 : i32
    %dma_start3A_46 = tpu.memref_slice %arg2[%add3A_34, %dma_start3A_45] : memref<16384x768xf32, #tpu.memory_space<hbm>> -> memref<16x768xf32, #tpu.memory_space<hbm>>
    tpu.enqueue_dma source(%dma_start3A_46 : memref<16x768xf32, #tpu.memory_space<hbm>>) target(%dma_start3A_44 : memref<16x768xf32, #tpu.memory_space<vmem>>) target_semaphore(%arg10 : memref<!tpu.dma_semaphore, #tpu.memory_space<semaphore_mem>>)
    "tpu.region"() ({
      %run_scoped3A = tpu.sem_alloc : memref<!tpu.dma_semaphore, #tpu.memory_space<semaphore_mem>>
      %dma_start3A_218 = arith.constant 0 : i32
      %dma_start3A_219 = tpu.memref_slice %arg3[%select_n3A, %dma_start3A_218] : memref<4x4096xi32, #tpu.memory_space<hbm>> -> memref<1x4096xi32, #tpu.memory_space<hbm>>
      %dma_start3A_220 = tpu.memref_squeeze %dma_start3A_219 : memref<1x4096xi32, #tpu.memory_space<hbm>> -> memref<4096xi32, #tpu.memory_space<hbm>>
      %dma_start3A_221 = arith.constant 0 : i32
      %dma_start3A_222 = tpu.memref_slice %arg3[%select_n3A, %dma_start3A_221] : memref<4x4096xi32, #tpu.memory_space<hbm>> -> memref<1x4096xi32, #tpu.memory_space<hbm>>
      %dma_start3A_223 = tpu.memref_squeeze %dma_start3A_222 : memref<1x4096xi32, #tpu.memory_space<hbm>> -> memref<4096xi32, #tpu.memory_space<hbm>>
      tpu.enqueue_dma source(%dma_start3A_223 : memref<4096xi32, #tpu.memory_space<hbm>>) target(%arg6 : memref<4096xi32, #tpu.memory_space<vmem>>) target_semaphore(%run_scoped3A : memref<!tpu.dma_semaphore, #tpu.memory_space<semaphore_mem>>)
      %dma_wait3A_224 = arith.constant 0 : i32
      %dma_wait3A_225 = tpu.memref_slice %arg3[%select_n3A, %dma_wait3A_224] : memref<4x4096xi32, #tpu.memory_space<hbm>> -> memref<1x4096xi32, #tpu.memory_space<hbm>>
      %dma_wait3A_226 = tpu.memref_squeeze %dma_wait3A_225 : memref<1x4096xi32, #tpu.memory_space<hbm>> -> memref<4096xi32, #tpu.memory_space<hbm>>
      %dma_wait3A_227 = arith.constant 0 : i32
      %dma_wait3A_228 = tpu.memref_slice %arg3[%select_n3A, %dma_wait3A_227] : memref<4x4096xi32, #tpu.memory_space<hbm>> -> memref<1x4096xi32, #tpu.memory_space<hbm>>
      %dma_wait3A_229 = tpu.memref_squeeze %dma_wait3A_228 : memref<1x4096xi32, #tpu.memory_space<hbm>> -> memref<4096xi32, #tpu.memory_space<hbm>>
      tpu.wait_dma2 semaphore(%run_scoped3A : memref<!tpu.dma_semaphore, #tpu.memory_space<semaphore_mem>>) src(%dma_wait3A_229 : memref<4096xi32, #tpu.memory_space<hbm>>) dst(%arg6 : memref<4096xi32, #tpu.memory_space<vmem>>)
      tpu.yield
    }) : () -> ()
    %broadcast_in_dim3A = arith.constant 0 : i32
    %broadcast_in_dim3A_47 = vector.broadcast %broadcast_in_dim3A : i32 to vector<16xi32>
    %broadcast_in_dim3A_48 = arith.constant 1 : i32
    %broadcast_in_dim3A_49 = vector.broadcast %broadcast_in_dim3A_48 : i32 to vector<16xi32>
    %broadcast_in_dim3A_50 = arith.constant 0 : i32
    %broadcast_in_dim3A_51 = vector.broadcast %broadcast_in_dim3A_50 : i32 to vector<16xi32>
    %broadcast_in_dim3A_52 = arith.constant 1 : i32
    %broadcast_in_dim3A_53 = vector.broadcast %broadcast_in_dim3A_52 : i32 to vector<16xi32>
    %broadcast_in_dim3A_54 = arith.constant 2 : i32
    %broadcast_in_dim3A_55 = vector.broadcast %broadcast_in_dim3A_54 : i32 to vector<16xi32>
    %broadcast_in_dim3A_56 = arith.constant 3 : i32
    %broadcast_in_dim3A_57 = vector.broadcast %broadcast_in_dim3A_56 : i32 to vector<16xi32>
    %mul3A_58 = arith.constant 32 : i32
    %mul3A_59 = arith.muli %select_n3A_30, %mul3A_58 : i32
    %while3A = arith.constant 0 : i32
    %while3A_60 = arith.subi %mul3A_59, %while3A : i32
    %while3A_61 = arith.addi %while3A, %while3A_60 : i32
    %while3A_62 = arith.constant 1 : i32
    %while3A_63 = arith.divsi %while3A_60, %while3A_62 : i32
    %while3A_64 = arith.muli %while3A_63, %while3A_62 : i32
    %while3A_65 = arith.addi %while3A, %while3A_64 : i32
    %while3A_66 = arith.constant 1 : i32
    %while3A_67:4 = scf.for %while3A_218 = %while3A to %while3A_65 step %while3A_66 iter_args(%while3A_219 = %broadcast_in_dim3A_47, %while3A_220 = %broadcast_in_dim3A_47, %while3A_221 = %broadcast_in_dim3A_47, %while3A_222 = %broadcast_in_dim3A_47) -> (vector<16xi32>, vector<16xi32>, vector<16xi32>, vector<16xi32>)  : i32 {
      %mul3A_223 = arith.constant 16 : i32
      %mul3A_224 = arith.muli %while3A_218, %mul3A_223 : i32
      %get3A = arith.index_cast %mul3A_224 : i32 to index
      %get3A_225 = tpu.vector_load %arg6[%get3A] {strides = array<i32>} : memref<4096xi32, #tpu.memory_space<vmem>>, vector<16xi32>,
      %eq3A_226 = arith.cmpi eq, %get3A_225, %broadcast_in_dim3A_51 : vector<16xi32>
      %select_n3A_227 = arith.select %eq3A_226, %broadcast_in_dim3A_49, %broadcast_in_dim3A_47 : vector<16xi1>, vector<16xi32>
      %add3A_228 = arith.addi %while3A_219, %select_n3A_227 : vector<16xi32>
      %eq3A_229 = arith.cmpi eq, %get3A_225, %broadcast_in_dim3A_53 : vector<16xi32>
      %select_n3A_230 = arith.select %eq3A_229, %broadcast_in_dim3A_49, %broadcast_in_dim3A_47 : vector<16xi1>, vector<16xi32>
      %add3A_231 = arith.addi %while3A_220, %select_n3A_230 : vector<16xi32>
      %eq3A_232 = arith.cmpi eq, %get3A_225, %broadcast_in_dim3A_55 : vector<16xi32>
      %select_n3A_233 = arith.select %eq3A_232, %broadcast_in_dim3A_49, %broadcast_in_dim3A_47 : vector<16xi1>, vector<16xi32>
      %add3A_234 = arith.addi %while3A_221, %select_n3A_233 : vector<16xi32>
      %eq3A_235 = arith.cmpi eq, %get3A_225, %broadcast_in_dim3A_57 : vector<16xi32>
      %select_n3A_236 = arith.select %eq3A_235, %broadcast_in_dim3A_49, %broadcast_in_dim3A_47 : vector<16xi1>, vector<16xi32>
      %add3A_237 = arith.addi %while3A_222, %select_n3A_236 : vector<16xi32>
      scf.yield %add3A_228, %add3A_231, %add3A_234, %add3A_237 : vector<16xi32>, vector<16xi32>, vector<16xi32>, vector<16xi32>
    }
    %while3A_68 = arith.constant 1 : i32
    %while3A_69:4 = scf.for %while3A_218 = %while3A_65 to %while3A_61 step %while3A_68 iter_args(%while3A_219 = %while3A_67#0, %while3A_220 = %while3A_67#1, %while3A_221 = %while3A_67#2, %while3A_222 = %while3A_67#3) -> (vector<16xi32>, vector<16xi32>, vector<16xi32>, vector<16xi32>)  : i32 {
      %mul3A_223 = arith.constant 16 : i32
      %mul3A_224 = arith.muli %while3A_218, %mul3A_223 : i32
      %get3A = arith.index_cast %mul3A_224 : i32 to index
      %get3A_225 = tpu.vector_load %arg6[%get3A] {strides = array<i32>} : memref<4096xi32, #tpu.memory_space<vmem>>, vector<16xi32>,
      %eq3A_226 = arith.cmpi eq, %get3A_225, %broadcast_in_dim3A_51 : vector<16xi32>
      %select_n3A_227 = arith.select %eq3A_226, %broadcast_in_dim3A_49, %broadcast_in_dim3A_47 : vector<16xi1>, vector<16xi32>
      %add3A_228 = arith.addi %while3A_219, %select_n3A_227 : vector<16xi32>
      %eq3A_229 = arith.cmpi eq, %get3A_225, %broadcast_in_dim3A_53 : vector<16xi32>
      %select_n3A_230 = arith.select %eq3A_229, %broadcast_in_dim3A_49, %broadcast_in_dim3A_47 : vector<16xi1>, vector<16xi32>
      %add3A_231 = arith.addi %while3A_220, %select_n3A_230 : vector<16xi32>
      %eq3A_232 = arith.cmpi eq, %get3A_225, %broadcast_in_dim3A_55 : vector<16xi32>
      %select_n3A_233 = arith.select %eq3A_232, %broadcast_in_dim3A_49, %broadcast_in_dim3A_47 : vector<16xi1>, vector<16xi32>
      %add3A_234 = arith.addi %while3A_221, %select_n3A_233 : vector<16xi32>
      %eq3A_235 = arith.cmpi eq, %get3A_225, %broadcast_in_dim3A_57 : vector<16xi32>
      %select_n3A_236 = arith.select %eq3A_235, %broadcast_in_dim3A_49, %broadcast_in_dim3A_47 : vector<16xi1>, vector<16xi32>
      %add3A_237 = arith.addi %while3A_222, %select_n3A_236 : vector<16xi32>
      scf.yield %add3A_228, %add3A_231, %add3A_234, %add3A_237 : vector<16xi32>, vector<16xi32>, vector<16xi32>, vector<16xi32>
    }
    %reduce_sum3A = arith.constant true
    %reduce_sum3A_70 = vector.broadcast %reduce_sum3A : i1 to vector<16xi1>
    %reduce_sum3A_71 = tpu.scan <sum>, %while3A_69#0 masked %reduce_sum3A_70 : vector<16xi32>, vector<16xi1> -> vector<16xi32>
    %reduce_sum3A_72 = vector.extract %reduce_sum3A_71[15] : i32 from vector<16xi32>
    %reduce_sum3A_73 = arith.constant true
    %reduce_sum3A_74 = vector.broadcast %reduce_sum3A_73 : i1 to vector<16xi1>
    %reduce_sum3A_75 = tpu.scan <sum>, %while3A_69#1 masked %reduce_sum3A_74 : vector<16xi32>, vector<16xi1> -> vector<16xi32>
    %reduce_sum3A_76 = vector.extract %reduce_sum3A_75[15] : i32 from vector<16xi32>
    %reduce_sum3A_77 = arith.constant true
    %reduce_sum3A_78 = vector.broadcast %reduce_sum3A_77 : i1 to vector<16xi1>
    %reduce_sum3A_79 = tpu.scan <sum>, %while3A_69#2 masked %reduce_sum3A_78 : vector<16xi32>, vector<16xi1> -> vector<16xi32>
    %reduce_sum3A_80 = vector.extract %reduce_sum3A_79[15] : i32 from vector<16xi32>
    %reduce_sum3A_81 = arith.constant true
    %reduce_sum3A_82 = vector.broadcast %reduce_sum3A_81 : i1 to vector<16xi1>
    %reduce_sum3A_83 = tpu.scan <sum>, %while3A_69#3 masked %reduce_sum3A_82 : vector<16xi32>, vector<16xi1> -> vector<16xi32>
    %reduce_sum3A_84 = vector.extract %reduce_sum3A_83[15] : i32 from vector<16xi32>
    %mul3A_85 = arith.constant 512 : i32
    %mul3A_86 = arith.muli %select_n3A_30, %mul3A_85 : i32
    %scan3A = arith.constant 0 : i32
    %scan3A_87 = arith.constant 32 : i32
    %scan3A_88 = arith.addi %scan3A, %scan3A_87 : i32
    %scan3A_89 = arith.constant 1 : i32
    %scan3A_90:4 = scf.for %scan3A_218 = %scan3A to %scan3A_88 step %scan3A_89 iter_args(%scan3A_219 = %reduce_sum3A_72, %scan3A_220 = %reduce_sum3A_76, %scan3A_221 = %reduce_sum3A_80, %scan3A_222 = %reduce_sum3A_84) -> (i32, i32, i32, i32)  : i32 {
      %mul3A_223 = arith.constant 16 : i32
      %mul3A_224 = arith.muli %scan3A_218, %mul3A_223 : i32
      %add3A_225 = arith.addi %mul3A_86, %mul3A_224 : i32
      %get3A = arith.index_cast %add3A_225 : i32 to index
      %get3A_226 = tpu.vector_load %arg6[%get3A] {strides = array<i32>} : memref<4096xi32, #tpu.memory_space<vmem>>, vector<16xi32>,
      %broadcast_in_dim3A_227 = arith.constant 4096 : i32
      %broadcast_in_dim3A_228 = vector.broadcast %broadcast_in_dim3A_227 : i32 to vector<16xi32>
      %mul3A_229 = arith.muli %get3A_226, %broadcast_in_dim3A_228 : vector<16xi32>
      %eq3A_230 = arith.cmpi eq, %get3A_226, %broadcast_in_dim3A_51 : vector<16xi32>
      %select_n3A_231 = arith.select %eq3A_230, %broadcast_in_dim3A_49, %broadcast_in_dim3A_47 : vector<16xi1>, vector<16xi32>
      %broadcast_in_dim3A_232 = arith.constant true
      %broadcast_in_dim3A_233 = vector.broadcast %broadcast_in_dim3A_232 : i1 to vector<16xi1>
      %masked_cumsum3A = tpu.scan <sum>, %select_n3A_231 masked %broadcast_in_dim3A_233 : vector<16xi32>, vector<16xi1> -> vector<16xi32>
      %broadcast_in_dim3A_234 = vector.broadcast %scan3A_219 : i32 to vector<16xi32>
      %add3A_235 = arith.addi %broadcast_in_dim3A_234, %masked_cumsum3A : vector<16xi32>
      %sub3A_236 = arith.subi %add3A_235, %broadcast_in_dim3A_49 : vector<16xi32>
      %mul3A_237 = arith.muli %select_n3A_231, %sub3A_236 : vector<16xi32>
      %add3A_238 = arith.addi %mul3A_229, %mul3A_237 : vector<16xi32>
      %reduce_sum3A_239 = arith.constant true
      %reduce_sum3A_240 = vector.broadcast %reduce_sum3A_239 : i1 to vector<16xi1>
      %reduce_sum3A_241 = tpu.scan <sum>, %select_n3A_231 masked %reduce_sum3A_240 : vector<16xi32>, vector<16xi1> -> vector<16xi32>
      %reduce_sum3A_242 = vector.extract %reduce_sum3A_241[15] : i32 from vector<16xi32>
      %add3A_243 = arith.addi %scan3A_219, %reduce_sum3A_242 : i32
      %eq3A_244 = arith.cmpi eq, %get3A_226, %broadcast_in_dim3A_53 : vector<16xi32>
      %select_n3A_245 = arith.select %eq3A_244, %broadcast_in_dim3A_49, %broadcast_in_dim3A_47 : vector<16xi1>, vector<16xi32>
      %broadcast_in_dim3A_246 = arith.constant true
      %broadcast_in_dim3A_247 = vector.broadcast %broadcast_in_dim3A_246 : i1 to vector<16xi1>
      %masked_cumsum3A_248 = tpu.scan <sum>, %select_n3A_245 masked %broadcast_in_dim3A_247 : vector<16xi32>, vector<16xi1> -> vector<16xi32>
      %broadcast_in_dim3A_249 = vector.broadcast %scan3A_220 : i32 to vector<16xi32>
      %add3A_250 = arith.addi %broadcast_in_dim3A_249, %masked_cumsum3A_248 : vector<16xi32>
      %sub3A_251 = arith.subi %add3A_250, %broadcast_in_dim3A_49 : vector<16xi32>
      %mul3A_252 = arith.muli %select_n3A_245, %sub3A_251 : vector<16xi32>
      %add3A_253 = arith.addi %add3A_238, %mul3A_252 : vector<16xi32>
      %reduce_sum3A_254 = arith.constant true
      %reduce_sum3A_255 = vector.broadcast %reduce_sum3A_254 : i1 to vector<16xi1>
      %reduce_sum3A_256 = tpu.scan <sum>, %select_n3A_245 masked %reduce_sum3A_255 : vector<16xi32>, vector<16xi1> -> vector<16xi32>
      %reduce_sum3A_257 = vector.extract %reduce_sum3A_256[15] : i32 from vector<16xi32>
      %add3A_258 = arith.addi %scan3A_220, %reduce_sum3A_257 : i32
      %eq3A_259 = arith.cmpi eq, %get3A_226, %broadcast_in_dim3A_55 : vector<16xi32>
      %select_n3A_260 = arith.select %eq3A_259, %broadcast_in_dim3A_49, %broadcast_in_dim3A_47 : vector<16xi1>, vector<16xi32>
      %broadcast_in_dim3A_261 = arith.constant true
      %broadcast_in_dim3A_262 = vector.broadcast %broadcast_in_dim3A_261 : i1 to vector<16xi1>
      %masked_cumsum3A_263 = tpu.scan <sum>, %select_n3A_260 masked %broadcast_in_dim3A_262 : vector<16xi32>, vector<16xi1> -> vector<16xi32>
      %broadcast_in_dim3A_264 = vector.broadcast %scan3A_221 : i32 to vector<16xi32>
      %add3A_265 = arith.addi %broadcast_in_dim3A_264, %masked_cumsum3A_263 : vector<16xi32>
      %sub3A_266 = arith.subi %add3A_265, %broadcast_in_dim3A_49 : vector<16xi32>
      %mul3A_267 = arith.muli %select_n3A_260, %sub3A_266 : vector<16xi32>
      %add3A_268 = arith.addi %add3A_253, %mul3A_267 : vector<16xi32>
      %reduce_sum3A_269 = arith.constant true
      %reduce_sum3A_270 = vector.broadcast %reduce_sum3A_269 : i1 to vector<16xi1>
      %reduce_sum3A_271 = tpu.scan <sum>, %select_n3A_260 masked %reduce_sum3A_270 : vector<16xi32>, vector<16xi1> -> vector<16xi32>
      %reduce_sum3A_272 = vector.extract %reduce_sum3A_271[15] : i32 from vector<16xi32>
      %add3A_273 = arith.addi %scan3A_221, %reduce_sum3A_272 : i32
      %eq3A_274 = arith.cmpi eq, %get3A_226, %broadcast_in_dim3A_57 : vector<16xi32>
      %select_n3A_275 = arith.select %eq3A_274, %broadcast_in_dim3A_49, %broadcast_in_dim3A_47 : vector<16xi1>, vector<16xi32>
      %broadcast_in_dim3A_276 = arith.constant true
      %broadcast_in_dim3A_277 = vector.broadcast %broadcast_in_dim3A_276 : i1 to vector<16xi1>
      %masked_cumsum3A_278 = tpu.scan <sum>, %select_n3A_275 masked %broadcast_in_dim3A_277 : vector<16xi32>, vector<16xi1> -> vector<16xi32>
      %broadcast_in_dim3A_279 = vector.broadcast %scan3A_222 : i32 to vector<16xi32>
      %add3A_280 = arith.addi %broadcast_in_dim3A_279, %masked_cumsum3A_278 : vector<16xi32>
      %sub3A_281 = arith.subi %add3A_280, %broadcast_in_dim3A_49 : vector<16xi32>
      %mul3A_282 = arith.muli %select_n3A_275, %sub3A_281 : vector<16xi32>
      %add3A_283 = arith.addi %add3A_268, %mul3A_282 : vector<16xi32>
      %reduce_sum3A_284 = arith.constant true
      %reduce_sum3A_285 = vector.broadcast %reduce_sum3A_284 : i1 to vector<16xi1>
      %reduce_sum3A_286 = tpu.scan <sum>, %select_n3A_275 masked %reduce_sum3A_285 : vector<16xi32>, vector<16xi1> -> vector<16xi32>
      %reduce_sum3A_287 = vector.extract %reduce_sum3A_286[15] : i32 from vector<16xi32>
      %add3A_288 = arith.addi %scan3A_222, %reduce_sum3A_287 : i32
      %mul3A_289 = arith.constant 16 : i32
      %mul3A_290 = arith.muli %scan3A_218, %mul3A_289 : i32
      %swap3A = arith.index_cast %mul3A_290 : i32 to index
      %swap3A_291 = tpu.vector_load %arg7[%swap3A] {strides = array<i32>} : memref<512xi32, #tpu.memory_space<vmem>>, vector<16xi32>,
      tpu.vector_store %arg7[%swap3A], %add3A_283 {strides = array<i32>} : memref<512xi32, #tpu.memory_space<vmem>>, vector<16xi32>,
      scf.yield %add3A_243, %add3A_258, %add3A_273, %add3A_288 : i32, i32, i32, i32
    }
    %scan3A_91 = arith.constant 32 : i32
    %dma_start3A_92 = arith.constant 0 : i32
    %dma_start3A_93 = arith.constant 0 : i32
    %dma_start3A_94 = arith.constant 0 : i32
    %dma_start3A_95 = tpu.memref_slice %arg9[%dma_start3A_92, %dma_start3A_93, %dma_start3A_94] : memref<4x16x768xf32, #tpu.memory_space<vmem>> -> memref<1x16x768xf32, #tpu.memory_space<vmem>>
    %dma_start3A_96 = tpu.memref_squeeze %dma_start3A_95 : memref<1x16x768xf32, #tpu.memory_space<vmem>> -> memref<16x768xf32, #tpu.memory_space<vmem>>
    %dma_start3A_97 = arith.constant 0 : i32
    %dma_start3A_98 = tpu.memref_slice %arg7[%dma_start3A_97] : memref<512xi32, #tpu.memory_space<vmem>> -> memref<16xi32, #tpu.memory_space<vmem>>
    %dma_start3A_99 = arith.constant 0 : i32
    %dma_start3A_100 = arith.constant 0 : i32
    %dma_start3A_101 = tpu.memref_slice %arg4[%dma_start3A_99, %dma_start3A_100] : memref<16384x768xf32, #tpu.memory_space<hbm>> -> memref<16384x768xf32, #tpu.memory_space<hbm>>
    tpu.enqueue_indirect_dma source(%dma_start3A_101 : memref<16384x768xf32, #tpu.memory_space<hbm>>) target(%dma_start3A_96 : memref<16x768xf32, #tpu.memory_space<vmem>>) offsets(%dma_start3A_98 : memref<16xi32, #tpu.memory_space<vmem>>) semaphore(%arg11 : memref<!tpu.dma_semaphore, #tpu.memory_space<semaphore_mem>>)
    %add3A_102 = arith.constant 16 : i32
    %add3A_103 = arith.addi %mul3A_32, %add3A_102 : i32
    %dma_start3A_104 = arith.constant 1 : i32
    %dma_start3A_105 = arith.constant 0 : i32
    %dma_start3A_106 = arith.constant 0 : i32
    %dma_start3A_107 = tpu.memref_slice %arg8[%dma_start3A_104, %dma_start3A_105, %dma_start3A_106] : memref<4x16x768xf32, #tpu.memory_space<vmem>> -> memref<1x16x768xf32, #tpu.memory_space<vmem>>
    %dma_start3A_108 = tpu.memref_squeeze %dma_start3A_107 : memref<1x16x768xf32, #tpu.memory_space<vmem>> -> memref<16x768xf32, #tpu.memory_space<vmem>>
    %dma_start3A_109 = arith.constant 0 : i32
    %dma_start3A_110 = tpu.memref_slice %arg2[%add3A_103, %dma_start3A_109] : memref<16384x768xf32, #tpu.memory_space<hbm>> -> memref<16x768xf32, #tpu.memory_space<hbm>>
    %dma_start3A_111 = arith.constant 0 : i32
    %dma_start3A_112 = arith.constant 0 : i32
    %dma_start3A_113 = tpu.memref_slice %arg8[%dma_start3A_104, %dma_start3A_111, %dma_start3A_112] : memref<4x16x768xf32, #tpu.memory_space<vmem>> -> memref<1x16x768xf32, #tpu.memory_space<vmem>>
    %dma_start3A_114 = tpu.memref_squeeze %dma_start3A_113 : memref<1x16x768xf32, #tpu.memory_space<vmem>> -> memref<16x768xf32, #tpu.memory_space<vmem>>
    %dma_start3A_115 = arith.constant 0 : i32
    %dma_start3A_116 = tpu.memref_slice %arg2[%add3A_103, %dma_start3A_115] : memref<16384x768xf32, #tpu.memory_space<hbm>> -> memref<16x768xf32, #tpu.memory_space<hbm>>
    tpu.enqueue_dma source(%dma_start3A_116 : memref<16x768xf32, #tpu.memory_space<hbm>>) target(%dma_start3A_114 : memref<16x768xf32, #tpu.memory_space<vmem>>) target_semaphore(%arg10 : memref<!tpu.dma_semaphore, #tpu.memory_space<semaphore_mem>>)
    %dma_start3A_117 = arith.constant 1 : i32
    %dma_start3A_118 = arith.constant 0 : i32
    %dma_start3A_119 = arith.constant 0 : i32
    %dma_start3A_120 = tpu.memref_slice %arg9[%dma_start3A_117, %dma_start3A_118, %dma_start3A_119] : memref<4x16x768xf32, #tpu.memory_space<vmem>> -> memref<1x16x768xf32, #tpu.memory_space<vmem>>
    %dma_start3A_121 = tpu.memref_squeeze %dma_start3A_120 : memref<1x16x768xf32, #tpu.memory_space<vmem>> -> memref<16x768xf32, #tpu.memory_space<vmem>>
    %dma_start3A_122 = arith.constant 16 : i32
    %dma_start3A_123 = tpu.memref_slice %arg7[%dma_start3A_122] : memref<512xi32, #tpu.memory_space<vmem>> -> memref<16xi32, #tpu.memory_space<vmem>>
    %dma_start3A_124 = arith.constant 0 : i32
    %dma_start3A_125 = arith.constant 0 : i32
    %dma_start3A_126 = tpu.memref_slice %arg4[%dma_start3A_124, %dma_start3A_125] : memref<16384x768xf32, #tpu.memory_space<hbm>> -> memref<16384x768xf32, #tpu.memory_space<hbm>>
    tpu.enqueue_indirect_dma source(%dma_start3A_126 : memref<16384x768xf32, #tpu.memory_space<hbm>>) target(%dma_start3A_121 : memref<16x768xf32, #tpu.memory_space<vmem>>) offsets(%dma_start3A_123 : memref<16xi32, #tpu.memory_space<vmem>>) semaphore(%arg11 : memref<!tpu.dma_semaphore, #tpu.memory_space<semaphore_mem>>)
    %add3A_127 = arith.constant 32 : i32
    %add3A_128 = arith.addi %mul3A_32, %add3A_127 : i32
    %dma_start3A_129 = arith.constant 2 : i32
    %dma_start3A_130 = arith.constant 0 : i32
    %dma_start3A_131 = arith.constant 0 : i32
    %dma_start3A_132 = tpu.memref_slice %arg8[%dma_start3A_129, %dma_start3A_130, %dma_start3A_131] : memref<4x16x768xf32, #tpu.memory_space<vmem>> -> memref<1x16x768xf32, #tpu.memory_space<vmem>>
    %dma_start3A_133 = tpu.memref_squeeze %dma_start3A_132 : memref<1x16x768xf32, #tpu.memory_space<vmem>> -> memref<16x768xf32, #tpu.memory_space<vmem>>
    %dma_start3A_134 = arith.constant 0 : i32
    %dma_start3A_135 = tpu.memref_slice %arg2[%add3A_128, %dma_start3A_134] : memref<16384x768xf32, #tpu.memory_space<hbm>> -> memref<16x768xf32, #tpu.memory_space<hbm>>
    %dma_start3A_136 = arith.constant 0 : i32
    %dma_start3A_137 = arith.constant 0 : i32
    %dma_start3A_138 = tpu.memref_slice %arg8[%dma_start3A_129, %dma_start3A_136, %dma_start3A_137] : memref<4x16x768xf32, #tpu.memory_space<vmem>> -> memref<1x16x768xf32, #tpu.memory_space<vmem>>
    %dma_start3A_139 = tpu.memref_squeeze %dma_start3A_138 : memref<1x16x768xf32, #tpu.memory_space<vmem>> -> memref<16x768xf32, #tpu.memory_space<vmem>>
    %dma_start3A_140 = arith.constant 0 : i32
    %dma_start3A_141 = tpu.memref_slice %arg2[%add3A_128, %dma_start3A_140] : memref<16384x768xf32, #tpu.memory_space<hbm>> -> memref<16x768xf32, #tpu.memory_space<hbm>>
    tpu.enqueue_dma source(%dma_start3A_141 : memref<16x768xf32, #tpu.memory_space<hbm>>) target(%dma_start3A_139 : memref<16x768xf32, #tpu.memory_space<vmem>>) target_semaphore(%arg10 : memref<!tpu.dma_semaphore, #tpu.memory_space<semaphore_mem>>)
    %dma_start3A_142 = arith.constant 2 : i32
    %dma_start3A_143 = arith.constant 0 : i32
    %dma_start3A_144 = arith.constant 0 : i32
    %dma_start3A_145 = tpu.memref_slice %arg9[%dma_start3A_142, %dma_start3A_143, %dma_start3A_144] : memref<4x16x768xf32, #tpu.memory_space<vmem>> -> memref<1x16x768xf32, #tpu.memory_space<vmem>>
    %dma_start3A_146 = tpu.memref_squeeze %dma_start3A_145 : memref<1x16x768xf32, #tpu.memory_space<vmem>> -> memref<16x768xf32, #tpu.memory_space<vmem>>
    %dma_start3A_147 = arith.constant 32 : i32
    %dma_start3A_148 = tpu.memref_slice %arg7[%dma_start3A_147] : memref<512xi32, #tpu.memory_space<vmem>> -> memref<16xi32, #tpu.memory_space<vmem>>
    %dma_start3A_149 = arith.constant 0 : i32
    %dma_start3A_150 = arith.constant 0 : i32
    %dma_start3A_151 = tpu.memref_slice %arg4[%dma_start3A_149, %dma_start3A_150] : memref<16384x768xf32, #tpu.memory_space<hbm>> -> memref<16384x768xf32, #tpu.memory_space<hbm>>
    tpu.enqueue_indirect_dma source(%dma_start3A_151 : memref<16384x768xf32, #tpu.memory_space<hbm>>) target(%dma_start3A_146 : memref<16x768xf32, #tpu.memory_space<vmem>>) offsets(%dma_start3A_148 : memref<16xi32, #tpu.memory_space<vmem>>) semaphore(%arg11 : memref<!tpu.dma_semaphore, #tpu.memory_space<semaphore_mem>>)
    %scan3A_152 = arith.constant 0 : i32
    %scan3A_153 = arith.constant 0 : i32
    %scan3A_154 = arith.constant 32 : i32
    %scan3A_155 = arith.addi %scan3A_153, %scan3A_154 : i32
    %scan3A_156 = arith.constant 1 : i32
    %scan3A_157 = scf.for %scan3A_218 = %scan3A_153 to %scan3A_155 step %scan3A_156 iter_args(%scan3A_219 = %scan3A_152) -> (i32)  : i32 {
      %rem3A_220 = arith.constant 4 : i32
      %rem3A_221 = arith.remsi %scan3A_218, %rem3A_220 : i32
      %add3A_222 = arith.constant 4 : i32
      %add3A_223 = arith.addi %scan3A_218, %add3A_222 : i32
      %sub3A_224 = arith.constant 1 : i32
      %sub3A_225 = arith.subi %add3A_223, %sub3A_224 : i32
      %rem3A_226 = arith.constant 4 : i32
      %rem3A_227 = arith.remsi %sub3A_225, %rem3A_226 : i32
      %lt3A_228 = arith.constant 32 : i32
      %lt3A_229 = arith.cmpi slt, %sub3A_225, %lt3A_228 : i32
      %convert_element_type3A = arith.extui %lt3A_229 : i1 to i32
      %cond3A = arith.constant 0 : i32
      %cond3A_230 = arith.cmpi ne, %convert_element_type3A, %cond3A : i32
      scf.if %cond3A_230 {
        %ge3A = arith.constant 1 : i32
        %ge3A_279 = arith.cmpi sge, %scan3A_218, %ge3A : i32
        %convert_element_type3A_280 = arith.extui %ge3A_279 : i1 to i32
        %cond3A_281 = arith.constant 0 : i32
        %cond3A_282 = arith.cmpi ne, %convert_element_type3A_280, %cond3A_281 : i32
        scf.if %cond3A_282 {
          %sub3A_308 = arith.constant 1 : i32
          %sub3A_309 = arith.subi %scan3A_218, %sub3A_308 : i32
          %mul3A_310 = arith.constant 16 : i32
          %mul3A_311 = arith.muli %sub3A_309, %mul3A_310 : i32
          %add3A_312 = arith.addi %mul3A_32, %mul3A_311 : i32
          %dma_wait3A_313 = arith.constant 0 : i32
          %dma_wait3A_314 = arith.constant 0 : i32
          %dma_wait3A_315 = tpu.memref_slice %arg8[%rem3A_227, %dma_wait3A_313, %dma_wait3A_314] : memref<4x16x768xf32, #tpu.memory_space<vmem>> -> memref<1x16x768xf32, #tpu.memory_space<vmem>>
          %dma_wait3A_316 = tpu.memref_squeeze %dma_wait3A_315 : memref<1x16x768xf32, #tpu.memory_space<vmem>> -> memref<16x768xf32, #tpu.memory_space<vmem>>
          %dma_wait3A_317 = arith.constant 0 : i32
          %dma_wait3A_318 = tpu.memref_slice %arg5[%add3A_312, %dma_wait3A_317] : memref<16384x768xf32, #tpu.memory_space<hbm>> -> memref<16x768xf32, #tpu.memory_space<hbm>>
          %dma_wait3A_319 = arith.constant 0 : i32
          %dma_wait3A_320 = tpu.memref_slice %arg5[%add3A_312, %dma_wait3A_319] : memref<16384x768xf32, #tpu.memory_space<hbm>> -> memref<16x768xf32, #tpu.memory_space<hbm>>
          %dma_wait3A_321 = arith.constant 0 : i32
          %dma_wait3A_322 = arith.constant 0 : i32
          %dma_wait3A_323 = tpu.memref_slice %arg8[%rem3A_227, %dma_wait3A_321, %dma_wait3A_322] : memref<4x16x768xf32, #tpu.memory_space<vmem>> -> memref<1x16x768xf32, #tpu.memory_space<vmem>>
          %dma_wait3A_324 = tpu.memref_squeeze %dma_wait3A_323 : memref<1x16x768xf32, #tpu.memory_space<vmem>> -> memref<16x768xf32, #tpu.memory_space<vmem>>
          tpu.wait_dma2 semaphore(%arg12 : memref<!tpu.dma_semaphore, #tpu.memory_space<semaphore_mem>>) src(%dma_wait3A_324 : memref<16x768xf32, #tpu.memory_space<vmem>>) dst(%dma_wait3A_320 : memref<16x768xf32, #tpu.memory_space<hbm>>)
        } else {
        }
        %mul3A_283 = arith.constant 16 : i32
        %mul3A_284 = arith.muli %sub3A_225, %mul3A_283 : i32
        %add3A_285 = arith.addi %mul3A_32, %mul3A_284 : i32
        %dma_start3A_286 = arith.constant 0 : i32
        %dma_start3A_287 = arith.constant 0 : i32
        %dma_start3A_288 = tpu.memref_slice %arg8[%rem3A_227, %dma_start3A_286, %dma_start3A_287] : memref<4x16x768xf32, #tpu.memory_space<vmem>> -> memref<1x16x768xf32, #tpu.memory_space<vmem>>
        %dma_start3A_289 = tpu.memref_squeeze %dma_start3A_288 : memref<1x16x768xf32, #tpu.memory_space<vmem>> -> memref<16x768xf32, #tpu.memory_space<vmem>>
        %dma_start3A_290 = arith.constant 0 : i32
        %dma_start3A_291 = tpu.memref_slice %arg2[%add3A_285, %dma_start3A_290] : memref<16384x768xf32, #tpu.memory_space<hbm>> -> memref<16x768xf32, #tpu.memory_space<hbm>>
        %dma_start3A_292 = arith.constant 0 : i32
        %dma_start3A_293 = arith.constant 0 : i32
        %dma_start3A_294 = tpu.memref_slice %arg8[%rem3A_227, %dma_start3A_292, %dma_start3A_293] : memref<4x16x768xf32, #tpu.memory_space<vmem>> -> memref<1x16x768xf32, #tpu.memory_space<vmem>>
        %dma_start3A_295 = tpu.memref_squeeze %dma_start3A_294 : memref<1x16x768xf32, #tpu.memory_space<vmem>> -> memref<16x768xf32, #tpu.memory_space<vmem>>
        %dma_start3A_296 = arith.constant 0 : i32
        %dma_start3A_297 = tpu.memref_slice %arg2[%add3A_285, %dma_start3A_296] : memref<16384x768xf32, #tpu.memory_space<hbm>> -> memref<16x768xf32, #tpu.memory_space<hbm>>
        tpu.enqueue_dma source(%dma_start3A_297 : memref<16x768xf32, #tpu.memory_space<hbm>>) target(%dma_start3A_295 : memref<16x768xf32, #tpu.memory_space<vmem>>) target_semaphore(%arg10 : memref<!tpu.dma_semaphore, #tpu.memory_space<semaphore_mem>>)
        %mul3A_298 = arith.constant 16 : i32
        %mul3A_299 = arith.muli %sub3A_225, %mul3A_298 : i32
        %dma_start3A_300 = arith.constant 0 : i32
        %dma_start3A_301 = arith.constant 0 : i32
        %dma_start3A_302 = tpu.memref_slice %arg9[%rem3A_227, %dma_start3A_300, %dma_start3A_301] : memref<4x16x768xf32, #tpu.memory_space<vmem>> -> memref<1x16x768xf32, #tpu.memory_space<vmem>>
        %dma_start3A_303 = tpu.memref_squeeze %dma_start3A_302 : memref<1x16x768xf32, #tpu.memory_space<vmem>> -> memref<16x768xf32, #tpu.memory_space<vmem>>
        %dma_start3A_304 = tpu.memref_slice %arg7[%mul3A_299] : memref<512xi32, #tpu.memory_space<vmem>> -> memref<16xi32, #tpu.memory_space<vmem>>
        %dma_start3A_305 = arith.constant 0 : i32
        %dma_start3A_306 = arith.constant 0 : i32
        %dma_start3A_307 = tpu.memref_slice %arg4[%dma_start3A_305, %dma_start3A_306] : memref<16384x768xf32, #tpu.memory_space<hbm>> -> memref<16384x768xf32, #tpu.memory_space<hbm>>
        tpu.enqueue_indirect_dma source(%dma_start3A_307 : memref<16384x768xf32, #tpu.memory_space<hbm>>) target(%dma_start3A_303 : memref<16x768xf32, #tpu.memory_space<vmem>>) offsets(%dma_start3A_304 : memref<16xi32, #tpu.memory_space<vmem>>) semaphore(%arg11 : memref<!tpu.dma_semaphore, #tpu.memory_space<semaphore_mem>>)
      } else {
      }
      %mul3A_231 = arith.constant 16 : i32
      %mul3A_232 = arith.muli %scan3A_218, %mul3A_231 : i32
      %add3A_233 = arith.addi %mul3A_32, %mul3A_232 : i32
      %dma_wait3A_234 = arith.constant 0 : i32
      %dma_wait3A_235 = arith.constant 0 : i32
      %dma_wait3A_236 = tpu.memref_slice %arg8[%rem3A_221, %dma_wait3A_234, %dma_wait3A_235] : memref<4x16x768xf32, #tpu.memory_space<vmem>> -> memref<1x16x768xf32, #tpu.memory_space<vmem>>
      %dma_wait3A_237 = tpu.memref_squeeze %dma_wait3A_236 : memref<1x16x768xf32, #tpu.memory_space<vmem>> -> memref<16x768xf32, #tpu.memory_space<vmem>>
      %dma_wait3A_238 = arith.constant 0 : i32
      %dma_wait3A_239 = tpu.memref_slice %arg2[%add3A_233, %dma_wait3A_238] : memref<16384x768xf32, #tpu.memory_space<hbm>> -> memref<16x768xf32, #tpu.memory_space<hbm>>
      %dma_wait3A_240 = arith.constant 0 : i32
      %dma_wait3A_241 = arith.constant 0 : i32
      %dma_wait3A_242 = tpu.memref_slice %arg8[%rem3A_221, %dma_wait3A_240, %dma_wait3A_241] : memref<4x16x768xf32, #tpu.memory_space<vmem>> -> memref<1x16x768xf32, #tpu.memory_space<vmem>>
      %dma_wait3A_243 = tpu.memref_squeeze %dma_wait3A_242 : memref<1x16x768xf32, #tpu.memory_space<vmem>> -> memref<16x768xf32, #tpu.memory_space<vmem>>
      %dma_wait3A_244 = arith.constant 0 : i32
      %dma_wait3A_245 = tpu.memref_slice %arg2[%add3A_233, %dma_wait3A_244] : memref<16384x768xf32, #tpu.memory_space<hbm>> -> memref<16x768xf32, #tpu.memory_space<hbm>>
      tpu.wait_dma2 semaphore(%arg10 : memref<!tpu.dma_semaphore, #tpu.memory_space<semaphore_mem>>) src(%dma_wait3A_245 : memref<16x768xf32, #tpu.memory_space<hbm>>) dst(%dma_wait3A_243 : memref<16x768xf32, #tpu.memory_space<vmem>>)
      %mul3A_246 = arith.constant 16 : i32
      %mul3A_247 = arith.muli %scan3A_218, %mul3A_246 : i32
      %dma_wait3A_248 = arith.constant 0 : i32
      %dma_wait3A_249 = arith.constant 0 : i32
      %dma_wait3A_250 = tpu.memref_slice %arg9[%rem3A_221, %dma_wait3A_248, %dma_wait3A_249] : memref<4x16x768xf32, #tpu.memory_space<vmem>> -> memref<1x16x768xf32, #tpu.memory_space<vmem>>
      %dma_wait3A_251 = tpu.memref_squeeze %dma_wait3A_250 : memref<1x16x768xf32, #tpu.memory_space<vmem>> -> memref<16x768xf32, #tpu.memory_space<vmem>>
      %dma_wait3A_252 = tpu.memref_slice %arg7[%mul3A_247] : memref<512xi32, #tpu.memory_space<vmem>> -> memref<16xi32, #tpu.memory_space<vmem>>
      %dma_wait3A_253 = arith.constant 0 : i32
      %dma_wait3A_254 = arith.constant 0 : i32
      %dma_wait3A_255 = tpu.memref_slice %arg4[%dma_wait3A_253, %dma_wait3A_254] : memref<16384x768xf32, #tpu.memory_space<hbm>> -> memref<16384x768xf32, #tpu.memory_space<hbm>>
      tpu.wait_indirect_dma semaphore(%arg11 : memref<!tpu.dma_semaphore, #tpu.memory_space<semaphore_mem>>) src(%dma_wait3A_255 : memref<16384x768xf32, #tpu.memory_space<hbm>>) dst(%dma_wait3A_251 : memref<16x768xf32, #tpu.memory_space<vmem>>)
      %scan3A_256 = arith.constant 0 : i32
      %scan3A_257 = arith.constant 0 : i32
      %scan3A_258 = arith.constant 16 : i32
      %scan3A_259 = arith.addi %scan3A_257, %scan3A_258 : i32
      %scan3A_260 = arith.constant 1 : i32
      %scan3A_261 = scf.for %scan3A_279 = %scan3A_257 to %scan3A_259 step %scan3A_260 iter_args(%scan3A_280 = %scan3A_256) -> (i32)  : i32 {
        %get3A = arith.index_cast %rem3A_221 : i32 to index
        %get3A_281 = arith.index_cast %scan3A_279 : i32 to index
        %get3A_282 = arith.constant 0 : index
        %get3A_283 = tpu.vector_load %arg9[%get3A, %get3A_281, %get3A_282] {strides = array<i32>} : memref<4x16x768xf32, #tpu.memory_space<vmem>>, vector<16xf32>,
        %swap3A = arith.index_cast %rem3A_221 : i32 to index
        %swap3A_284 = arith.index_cast %scan3A_279 : i32 to index
        %swap3A_285 = arith.constant 0 : index
        %swap3A_286 = tpu.vector_load %arg8[%swap3A, %swap3A_284, %swap3A_285] {strides = array<i32>} : memref<4x16x768xf32, #tpu.memory_space<vmem>>, vector<16xf32>,
        tpu.vector_store %arg8[%swap3A, %swap3A_284, %swap3A_285], %get3A_283 {add = true, strides = array<i32>} : memref<4x16x768xf32, #tpu.memory_space<vmem>>, vector<16xf32>,
        %get3A_287 = arith.index_cast %rem3A_221 : i32 to index
        %get3A_288 = arith.index_cast %scan3A_279 : i32 to index
        %get3A_289 = arith.constant 16 : index
        %get3A_290 = tpu.vector_load %arg9[%get3A_287, %get3A_288, %get3A_289] {strides = array<i32>} : memref<4x16x768xf32, #tpu.memory_space<vmem>>, vector<16xf32>,
        %swap3A_291 = arith.index_cast %rem3A_221 : i32 to index
        %swap3A_292 = arith.index_cast %scan3A_279 : i32 to index
        %swap3A_293 = arith.constant 16 : index
        %swap3A_294 = tpu.vector_load %arg8[%swap3A_291, %swap3A_292, %swap3A_293] {strides = array<i32>} : memref<4x16x768xf32, #tpu.memory_space<vmem>>, vector<16xf32>,
        tpu.vector_store %arg8[%swap3A_291, %swap3A_292, %swap3A_293], %get3A_290 {add = true, strides = array<i32>} : memref<4x16x768xf32, #tpu.memory_space<vmem>>, vector<16xf32>,
        %get3A_295 = arith.index_cast %rem3A_221 : i32 to index
        %get3A_296 = arith.index_cast %scan3A_279 : i32 to index
        %get3A_297 = arith.constant 32 : index
        %get3A_298 = tpu.vector_load %arg9[%get3A_295, %get3A_296, %get3A_297] {strides = array<i32>} : memref<4x16x768xf32, #tpu.memory_space<vmem>>, vector<16xf32>,
        %swap3A_299 = arith.index_cast %rem3A_221 : i32 to index
        %swap3A_300 = arith.index_cast %scan3A_279 : i32 to index
        %swap3A_301 = arith.constant 32 : index
        %swap3A_302 = tpu.vector_load %arg8[%swap3A_299, %swap3A_300, %swap3A_301] {strides = array<i32>} : memref<4x16x768xf32, #tpu.memory_space<vmem>>, vector<16xf32>,
        tpu.vector_store %arg8[%swap3A_299, %swap3A_300, %swap3A_301], %get3A_298 {add = true, strides = array<i32>} : memref<4x16x768xf32, #tpu.memory_space<vmem>>, vector<16xf32>,
        %get3A_303 = arith.index_cast %rem3A_221 : i32 to index
        %get3A_304 = arith.index_cast %scan3A_279 : i32 to index
        %get3A_305 = arith.constant 48 : index
        %get3A_306 = tpu.vector_load %arg9[%get3A_303, %get3A_304, %get3A_305] {strides = array<i32>} : memref<4x16x768xf32, #tpu.memory_space<vmem>>, vector<16xf32>,
        %swap3A_307 = arith.index_cast %rem3A_221 : i32 to index
        %swap3A_308 = arith.index_cast %scan3A_279 : i32 to index
        %swap3A_309 = arith.constant 48 : index
        %swap3A_310 = tpu.vector_load %arg8[%swap3A_307, %swap3A_308, %swap3A_309] {strides = array<i32>} : memref<4x16x768xf32, #tpu.memory_space<vmem>>, vector<16xf32>,
        tpu.vector_store %arg8[%swap3A_307, %swap3A_308, %swap3A_309], %get3A_306 {add = true, strides = array<i32>} : memref<4x16x768xf32, #tpu.memory_space<vmem>>, vector<16xf32>,
        %get3A_311 = arith.index_cast %rem3A_221 : i32 to index
        %get3A_312 = arith.index_cast %scan3A_279 : i32 to index
        %get3A_313 = arith.constant 64 : index
        %get3A_314 = tpu.vector_load %arg9[%get3A_311, %get3A_312, %get3A_313] {strides = array<i32>} : memref<4x16x768xf32, #tpu.memory_space<vmem>>, vector<16xf32>,
        %swap3A_315 = arith.index_cast %rem3A_221 : i32 to index
        %swap3A_316 = arith.index_cast %scan3A_279 : i32 to index
        %swap3A_317 = arith.constant 64 : index
        %swap3A_318 = tpu.vector_load %arg8[%swap3A_315, %swap3A_316, %swap3A_317] {strides = array<i32>} : memref<4x16x768xf32, #tpu.memory_space<vmem>>, vector<16xf32>,
        tpu.vector_store %arg8[%swap3A_315, %swap3A_316, %swap3A_317], %get3A_314 {add = true, strides = array<i32>} : memref<4x16x768xf32, #tpu.memory_space<vmem>>, vector<16xf32>,
        %get3A_319 = arith.index_cast %rem3A_221 : i32 to index
        %get3A_320 = arith.index_cast %scan3A_279 : i32 to index
        %get3A_321 = arith.constant 80 : index
        %get3A_322 = tpu.vector_load %arg9[%get3A_319, %get3A_320, %get3A_321] {strides = array<i32>} : memref<4x16x768xf32, #tpu.memory_space<vmem>>, vector<16xf32>,
        %swap3A_323 = arith.index_cast %rem3A_221 : i32 to index
        %swap3A_324 = arith.index_cast %scan3A_279 : i32 to index
        %swap3A_325 = arith.constant 80 : index
        %swap3A_326 = tpu.vector_load %arg8[%swap3A_323, %swap3A_324, %swap3A_325] {strides = array<i32>} : memref<4x16x768xf32, #tpu.memory_space<vmem>>, vector<16xf32>,
        tpu.vector_store %arg8[%swap3A_323, %swap3A_324, %swap3A_325], %get3A_322 {add = true, strides = array<i32>} : memref<4x16x768xf32, #tpu.memory_space<vmem>>, vector<16xf32>,
        %get3A_327 = arith.index_cast %rem3A_221 : i32 to index
        %get3A_328 = arith.index_cast %scan3A_279 : i32 to index
        %get3A_329 = arith.constant 96 : index
        %get3A_330 = tpu.vector_load %arg9[%get3A_327, %get3A_328, %get3A_329] {strides = array<i32>} : memref<4x16x768xf32, #tpu.memory_space<vmem>>, vector<16xf32>,
        %swap3A_331 = arith.index_cast %rem3A_221 : i32 to index
        %swap3A_332 = arith.index_cast %scan3A_279 : i32 to index
        %swap3A_333 = arith.constant 96 : index
        %swap3A_334 = tpu.vector_load %arg8[%swap3A_331, %swap3A_332, %swap3A_333] {strides = array<i32>} : memref<4x16x768xf32, #tpu.memory_space<vmem>>, vector<16xf32>,
        tpu.vector_store %arg8[%swap3A_331, %swap3A_332, %swap3A_333], %get3A_330 {add = true, strides = array<i32>} : memref<4x16x768xf32, #tpu.memory_space<vmem>>, vector<16xf32>,
        %get3A_335 = arith.index_cast %rem3A_221 : i32 to index
        %get3A_336 = arith.index_cast %scan3A_279 : i32 to index
        %get3A_337 = arith.constant 112 : index
        %get3A_338 = tpu.vector_load %arg9[%get3A_335, %get3A_336, %get3A_337] {strides = array<i32>} : memref<4x16x768xf32, #tpu.memory_space<vmem>>, vector<16xf32>,
        %swap3A_339 = arith.index_cast %rem3A_221 : i32 to index
        %swap3A_340 = arith.index_cast %scan3A_279 : i32 to index
        %swap3A_341 = arith.constant 112 : index
        %swap3A_342 = tpu.vector_load %arg8[%swap3A_339, %swap3A_340, %swap3A_341] {strides = array<i32>} : memref<4x16x768xf32, #tpu.memory_space<vmem>>, vector<16xf32>,
        tpu.vector_store %arg8[%swap3A_339, %swap3A_340, %swap3A_341], %get3A_338 {add = true, strides = array<i32>} : memref<4x16x768xf32, #tpu.memory_space<vmem>>, vector<16xf32>,
        %get3A_343 = arith.index_cast %rem3A_221 : i32 to index
        %get3A_344 = arith.index_cast %scan3A_279 : i32 to index
        %get3A_345 = arith.constant 128 : index
        %get3A_346 = tpu.vector_load %arg9[%get3A_343, %get3A_344, %get3A_345] {strides = array<i32>} : memref<4x16x768xf32, #tpu.memory_space<vmem>>, vector<16xf32>,
        %swap3A_347 = arith.index_cast %rem3A_221 : i32 to index
        %swap3A_348 = arith.index_cast %scan3A_279 : i32 to index
        %swap3A_349 = arith.constant 128 : index
        %swap3A_350 = tpu.vector_load %arg8[%swap3A_347, %swap3A_348, %swap3A_349] {strides = array<i32>} : memref<4x16x768xf32, #tpu.memory_space<vmem>>, vector<16xf32>,
        tpu.vector_store %arg8[%swap3A_347, %swap3A_348, %swap3A_349], %get3A_346 {add = true, strides = array<i32>} : memref<4x16x768xf32, #tpu.memory_space<vmem>>, vector<16xf32>,
        %get3A_351 = arith.index_cast %rem3A_221 : i32 to index
        %get3A_352 = arith.index_cast %scan3A_279 : i32 to index
        %get3A_353 = arith.constant 144 : index
        %get3A_354 = tpu.vector_load %arg9[%get3A_351, %get3A_352, %get3A_353] {strides = array<i32>} : memref<4x16x768xf32, #tpu.memory_space<vmem>>, vector<16xf32>,
        %swap3A_355 = arith.index_cast %rem3A_221 : i32 to index
        %swap3A_356 = arith.index_cast %scan3A_279 : i32 to index
        %swap3A_357 = arith.constant 144 : index
        %swap3A_358 = tpu.vector_load %arg8[%swap3A_355, %swap3A_356, %swap3A_357] {strides = array<i32>} : memref<4x16x768xf32, #tpu.memory_space<vmem>>, vector<16xf32>,
        tpu.vector_store %arg8[%swap3A_355, %swap3A_356, %swap3A_357], %get3A_354 {add = true, strides = array<i32>} : memref<4x16x768xf32, #tpu.memory_space<vmem>>, vector<16xf32>,
        %get3A_359 = arith.index_cast %rem3A_221 : i32 to index
        %get3A_360 = arith.index_cast %scan3A_279 : i32 to index
        %get3A_361 = arith.constant 160 : index
        %get3A_362 = tpu.vector_load %arg9[%get3A_359, %get3A_360, %get3A_361] {strides = array<i32>} : memref<4x16x768xf32, #tpu.memory_space<vmem>>, vector<16xf32>,
        %swap3A_363 = arith.index_cast %rem3A_221 : i32 to index
        %swap3A_364 = arith.index_cast %scan3A_279 : i32 to index
        %swap3A_365 = arith.constant 160 : index
        %swap3A_366 = tpu.vector_load %arg8[%swap3A_363, %swap3A_364, %swap3A_365] {strides = array<i32>} : memref<4x16x768xf32, #tpu.memory_space<vmem>>, vector<16xf32>,
        tpu.vector_store %arg8[%swap3A_363, %swap3A_364, %swap3A_365], %get3A_362 {add = true, strides = array<i32>} : memref<4x16x768xf32, #tpu.memory_space<vmem>>, vector<16xf32>,
        %get3A_367 = arith.index_cast %rem3A_221 : i32 to index
        %get3A_368 = arith.index_cast %scan3A_279 : i32 to index
        %get3A_369 = arith.constant 176 : index
        %get3A_370 = tpu.vector_load %arg9[%get3A_367, %get3A_368, %get3A_369] {strides = array<i32>} : memref<4x16x768xf32, #tpu.memory_space<vmem>>, vector<16xf32>,
        %swap3A_371 = arith.index_cast %rem3A_221 : i32 to index
        %swap3A_372 = arith.index_cast %scan3A_279 : i32 to index
        %swap3A_373 = arith.constant 176 : index
        %swap3A_374 = tpu.vector_load %arg8[%swap3A_371, %swap3A_372, %swap3A_373] {strides = array<i32>} : memref<4x16x768xf32, #tpu.memory_space<vmem>>, vector<16xf32>,
        tpu.vector_store %arg8[%swap3A_371, %swap3A_372, %swap3A_373], %get3A_370 {add = true, strides = array<i32>} : memref<4x16x768xf32, #tpu.memory_space<vmem>>, vector<16xf32>,
        %get3A_375 = arith.index_cast %rem3A_221 : i32 to index
        %get3A_376 = arith.index_cast %scan3A_279 : i32 to index
        %get3A_377 = arith.constant 192 : index
        %get3A_378 = tpu.vector_load %arg9[%get3A_375, %get3A_376, %get3A_377] {strides = array<i32>} : memref<4x16x768xf32, #tpu.memory_space<vmem>>, vector<16xf32>,
        %swap3A_379 = arith.index_cast %rem3A_221 : i32 to index
        %swap3A_380 = arith.index_cast %scan3A_279 : i32 to index
        %swap3A_381 = arith.constant 192 : index
        %swap3A_382 = tpu.vector_load %arg8[%swap3A_379, %swap3A_380, %swap3A_381] {strides = array<i32>} : memref<4x16x768xf32, #tpu.memory_space<vmem>>, vector<16xf32>,
        tpu.vector_store %arg8[%swap3A_379, %swap3A_380, %swap3A_381], %get3A_378 {add = true, strides = array<i32>} : memref<4x16x768xf32, #tpu.memory_space<vmem>>, vector<16xf32>,
        %get3A_383 = arith.index_cast %rem3A_221 : i32 to index
        %get3A_384 = arith.index_cast %scan3A_279 : i32 to index
        %get3A_385 = arith.constant 208 : index
        %get3A_386 = tpu.vector_load %arg9[%get3A_383, %get3A_384, %get3A_385] {strides = array<i32>} : memref<4x16x768xf32, #tpu.memory_space<vmem>>, vector<16xf32>,
        %swap3A_387 = arith.index_cast %rem3A_221 : i32 to index
        %swap3A_388 = arith.index_cast %scan3A_279 : i32 to index
        %swap3A_389 = arith.constant 208 : index
        %swap3A_390 = tpu.vector_load %arg8[%swap3A_387, %swap3A_388, %swap3A_389] {strides = array<i32>} : memref<4x16x768xf32, #tpu.memory_space<vmem>>, vector<16xf32>,
        tpu.vector_store %arg8[%swap3A_387, %swap3A_388, %swap3A_389], %get3A_386 {add = true, strides = array<i32>} : memref<4x16x768xf32, #tpu.memory_space<vmem>>, vector<16xf32>,
        %get3A_391 = arith.index_cast %rem3A_221 : i32 to index
        %get3A_392 = arith.index_cast %scan3A_279 : i32 to index
        %get3A_393 = arith.constant 224 : index
        %get3A_394 = tpu.vector_load %arg9[%get3A_391, %get3A_392, %get3A_393] {strides = array<i32>} : memref<4x16x768xf32, #tpu.memory_space<vmem>>, vector<16xf32>,
        %swap3A_395 = arith.index_cast %rem3A_221 : i32 to index
        %swap3A_396 = arith.index_cast %scan3A_279 : i32 to index
        %swap3A_397 = arith.constant 224 : index
        %swap3A_398 = tpu.vector_load %arg8[%swap3A_395, %swap3A_396, %swap3A_397] {strides = array<i32>} : memref<4x16x768xf32, #tpu.memory_space<vmem>>, vector<16xf32>,
        tpu.vector_store %arg8[%swap3A_395, %swap3A_396, %swap3A_397], %get3A_394 {add = true, strides = array<i32>} : memref<4x16x768xf32, #tpu.memory_space<vmem>>, vector<16xf32>,
        %get3A_399 = arith.index_cast %rem3A_221 : i32 to index
        %get3A_400 = arith.index_cast %scan3A_279 : i32 to index
        %get3A_401 = arith.constant 240 : index
        %get3A_402 = tpu.vector_load %arg9[%get3A_399, %get3A_400, %get3A_401] {strides = array<i32>} : memref<4x16x768xf32, #tpu.memory_space<vmem>>, vector<16xf32>,
        %swap3A_403 = arith.index_cast %rem3A_221 : i32 to index
        %swap3A_404 = arith.index_cast %scan3A_279 : i32 to index
        %swap3A_405 = arith.constant 240 : index
        %swap3A_406 = tpu.vector_load %arg8[%swap3A_403, %swap3A_404, %swap3A_405] {strides = array<i32>} : memref<4x16x768xf32, #tpu.memory_space<vmem>>, vector<16xf32>,
        tpu.vector_store %arg8[%swap3A_403, %swap3A_404, %swap3A_405], %get3A_402 {add = true, strides = array<i32>} : memref<4x16x768xf32, #tpu.memory_space<vmem>>, vector<16xf32>,
        %get3A_407 = arith.index_cast %rem3A_221 : i32 to index
        %get3A_408 = arith.index_cast %scan3A_279 : i32 to index
        %get3A_409 = arith.constant 256 : index
        %get3A_410 = tpu.vector_load %arg9[%get3A_407, %get3A_408, %get3A_409] {strides = array<i32>} : memref<4x16x768xf32, #tpu.memory_space<vmem>>, vector<16xf32>,
        %swap3A_411 = arith.index_cast %rem3A_221 : i32 to index
        %swap3A_412 = arith.index_cast %scan3A_279 : i32 to index
        %swap3A_413 = arith.constant 256 : index
        %swap3A_414 = tpu.vector_load %arg8[%swap3A_411, %swap3A_412, %swap3A_413] {strides = array<i32>} : memref<4x16x768xf32, #tpu.memory_space<vmem>>, vector<16xf32>,
        tpu.vector_store %arg8[%swap3A_411, %swap3A_412, %swap3A_413], %get3A_410 {add = true, strides = array<i32>} : memref<4x16x768xf32, #tpu.memory_space<vmem>>, vector<16xf32>,
        %get3A_415 = arith.index_cast %rem3A_221 : i32 to index
        %get3A_416 = arith.index_cast %scan3A_279 : i32 to index
        %get3A_417 = arith.constant 272 : index
        %get3A_418 = tpu.vector_load %arg9[%get3A_415, %get3A_416, %get3A_417] {strides = array<i32>} : memref<4x16x768xf32, #tpu.memory_space<vmem>>, vector<16xf32>,
        %swap3A_419 = arith.index_cast %rem3A_221 : i32 to index
        %swap3A_420 = arith.index_cast %scan3A_279 : i32 to index
        %swap3A_421 = arith.constant 272 : index
        %swap3A_422 = tpu.vector_load %arg8[%swap3A_419, %swap3A_420, %swap3A_421] {strides = array<i32>} : memref<4x16x768xf32, #tpu.memory_space<vmem>>, vector<16xf32>,
        tpu.vector_store %arg8[%swap3A_419, %swap3A_420, %swap3A_421], %get3A_418 {add = true, strides = array<i32>} : memref<4x16x768xf32, #tpu.memory_space<vmem>>, vector<16xf32>,
        %get3A_423 = arith.index_cast %rem3A_221 : i32 to index
        %get3A_424 = arith.index_cast %scan3A_279 : i32 to index
        %get3A_425 = arith.constant 288 : index
        %get3A_426 = tpu.vector_load %arg9[%get3A_423, %get3A_424, %get3A_425] {strides = array<i32>} : memref<4x16x768xf32, #tpu.memory_space<vmem>>, vector<16xf32>,
        %swap3A_427 = arith.index_cast %rem3A_221 : i32 to index
        %swap3A_428 = arith.index_cast %scan3A_279 : i32 to index
        %swap3A_429 = arith.constant 288 : index
        %swap3A_430 = tpu.vector_load %arg8[%swap3A_427, %swap3A_428, %swap3A_429] {strides = array<i32>} : memref<4x16x768xf32, #tpu.memory_space<vmem>>, vector<16xf32>,
        tpu.vector_store %arg8[%swap3A_427, %swap3A_428, %swap3A_429], %get3A_426 {add = true, strides = array<i32>} : memref<4x16x768xf32, #tpu.memory_space<vmem>>, vector<16xf32>,
        %get3A_431 = arith.index_cast %rem3A_221 : i32 to index
        %get3A_432 = arith.index_cast %scan3A_279 : i32 to index
        %get3A_433 = arith.constant 304 : index
        %get3A_434 = tpu.vector_load %arg9[%get3A_431, %get3A_432, %get3A_433] {strides = array<i32>} : memref<4x16x768xf32, #tpu.memory_space<vmem>>, vector<16xf32>,
        %swap3A_435 = arith.index_cast %rem3A_221 : i32 to index
        %swap3A_436 = arith.index_cast %scan3A_279 : i32 to index
        %swap3A_437 = arith.constant 304 : index
        %swap3A_438 = tpu.vector_load %arg8[%swap3A_435, %swap3A_436, %swap3A_437] {strides = array<i32>} : memref<4x16x768xf32, #tpu.memory_space<vmem>>, vector<16xf32>,
        tpu.vector_store %arg8[%swap3A_435, %swap3A_436, %swap3A_437], %get3A_434 {add = true, strides = array<i32>} : memref<4x16x768xf32, #tpu.memory_space<vmem>>, vector<16xf32>,
        %get3A_439 = arith.index_cast %rem3A_221 : i32 to index
        %get3A_440 = arith.index_cast %scan3A_279 : i32 to index
        %get3A_441 = arith.constant 320 : index
        %get3A_442 = tpu.vector_load %arg9[%get3A_439, %get3A_440, %get3A_441] {strides = array<i32>} : memref<4x16x768xf32, #tpu.memory_space<vmem>>, vector<16xf32>,
        %swap3A_443 = arith.index_cast %rem3A_221 : i32 to index
        %swap3A_444 = arith.index_cast %scan3A_279 : i32 to index
        %swap3A_445 = arith.constant 320 : index
        %swap3A_446 = tpu.vector_load %arg8[%swap3A_443, %swap3A_444, %swap3A_445] {strides = array<i32>} : memref<4x16x768xf32, #tpu.memory_space<vmem>>, vector<16xf32>,
        tpu.vector_store %arg8[%swap3A_443, %swap3A_444, %swap3A_445], %get3A_442 {add = true, strides = array<i32>} : memref<4x16x768xf32, #tpu.memory_space<vmem>>, vector<16xf32>,
        %get3A_447 = arith.index_cast %rem3A_221 : i32 to index
        %get3A_448 = arith.index_cast %scan3A_279 : i32 to index
        %get3A_449 = arith.constant 336 : index
        %get3A_450 = tpu.vector_load %arg9[%get3A_447, %get3A_448, %get3A_449] {strides = array<i32>} : memref<4x16x768xf32, #tpu.memory_space<vmem>>, vector<16xf32>,
        %swap3A_451 = arith.index_cast %rem3A_221 : i32 to index
        %swap3A_452 = arith.index_cast %scan3A_279 : i32 to index
        %swap3A_453 = arith.constant 336 : index
        %swap3A_454 = tpu.vector_load %arg8[%swap3A_451, %swap3A_452, %swap3A_453] {strides = array<i32>} : memref<4x16x768xf32, #tpu.memory_space<vmem>>, vector<16xf32>,
        tpu.vector_store %arg8[%swap3A_451, %swap3A_452, %swap3A_453], %get3A_450 {add = true, strides = array<i32>} : memref<4x16x768xf32, #tpu.memory_space<vmem>>, vector<16xf32>,
        %get3A_455 = arith.index_cast %rem3A_221 : i32 to index
        %get3A_456 = arith.index_cast %scan3A_279 : i32 to index
        %get3A_457 = arith.constant 352 : index
        %get3A_458 = tpu.vector_load %arg9[%get3A_455, %get3A_456, %get3A_457] {strides = array<i32>} : memref<4x16x768xf32, #tpu.memory_space<vmem>>, vector<16xf32>,
        %swap3A_459 = arith.index_cast %rem3A_221 : i32 to index
        %swap3A_460 = arith.index_cast %scan3A_279 : i32 to index
        %swap3A_461 = arith.constant 352 : index
        %swap3A_462 = tpu.vector_load %arg8[%swap3A_459, %swap3A_460, %swap3A_461] {strides = array<i32>} : memref<4x16x768xf32, #tpu.memory_space<vmem>>, vector<16xf32>,
        tpu.vector_store %arg8[%swap3A_459, %swap3A_460, %swap3A_461], %get3A_458 {add = true, strides = array<i32>} : memref<4x16x768xf32, #tpu.memory_space<vmem>>, vector<16xf32>,
        %get3A_463 = arith.index_cast %rem3A_221 : i32 to index
        %get3A_464 = arith.index_cast %scan3A_279 : i32 to index
        %get3A_465 = arith.constant 368 : index
        %get3A_466 = tpu.vector_load %arg9[%get3A_463, %get3A_464, %get3A_465] {strides = array<i32>} : memref<4x16x768xf32, #tpu.memory_space<vmem>>, vector<16xf32>,
        %swap3A_467 = arith.index_cast %rem3A_221 : i32 to index
        %swap3A_468 = arith.index_cast %scan3A_279 : i32 to index
        %swap3A_469 = arith.constant 368 : index
        %swap3A_470 = tpu.vector_load %arg8[%swap3A_467, %swap3A_468, %swap3A_469] {strides = array<i32>} : memref<4x16x768xf32, #tpu.memory_space<vmem>>, vector<16xf32>,
        tpu.vector_store %arg8[%swap3A_467, %swap3A_468, %swap3A_469], %get3A_466 {add = true, strides = array<i32>} : memref<4x16x768xf32, #tpu.memory_space<vmem>>, vector<16xf32>,
        %get3A_471 = arith.index_cast %rem3A_221 : i32 to index
        %get3A_472 = arith.index_cast %scan3A_279 : i32 to index
        %get3A_473 = arith.constant 384 : index
        %get3A_474 = tpu.vector_load %arg9[%get3A_471, %get3A_472, %get3A_473] {strides = array<i32>} : memref<4x16x768xf32, #tpu.memory_space<vmem>>, vector<16xf32>,
        %swap3A_475 = arith.index_cast %rem3A_221 : i32 to index
        %swap3A_476 = arith.index_cast %scan3A_279 : i32 to index
        %swap3A_477 = arith.constant 384 : index
        %swap3A_478 = tpu.vector_load %arg8[%swap3A_475, %swap3A_476, %swap3A_477] {strides = array<i32>} : memref<4x16x768xf32, #tpu.memory_space<vmem>>, vector<16xf32>,
        tpu.vector_store %arg8[%swap3A_475, %swap3A_476, %swap3A_477], %get3A_474 {add = true, strides = array<i32>} : memref<4x16x768xf32, #tpu.memory_space<vmem>>, vector<16xf32>,
        %get3A_479 = arith.index_cast %rem3A_221 : i32 to index
        %get3A_480 = arith.index_cast %scan3A_279 : i32 to index
        %get3A_481 = arith.constant 400 : index
        %get3A_482 = tpu.vector_load %arg9[%get3A_479, %get3A_480, %get3A_481] {strides = array<i32>} : memref<4x16x768xf32, #tpu.memory_space<vmem>>, vector<16xf32>,
        %swap3A_483 = arith.index_cast %rem3A_221 : i32 to index
        %swap3A_484 = arith.index_cast %scan3A_279 : i32 to index
        %swap3A_485 = arith.constant 400 : index
        %swap3A_486 = tpu.vector_load %arg8[%swap3A_483, %swap3A_484, %swap3A_485] {strides = array<i32>} : memref<4x16x768xf32, #tpu.memory_space<vmem>>, vector<16xf32>,
        tpu.vector_store %arg8[%swap3A_483, %swap3A_484, %swap3A_485], %get3A_482 {add = true, strides = array<i32>} : memref<4x16x768xf32, #tpu.memory_space<vmem>>, vector<16xf32>,
        %get3A_487 = arith.index_cast %rem3A_221 : i32 to index
        %get3A_488 = arith.index_cast %scan3A_279 : i32 to index
        %get3A_489 = arith.constant 416 : index
        %get3A_490 = tpu.vector_load %arg9[%get3A_487, %get3A_488, %get3A_489] {strides = array<i32>} : memref<4x16x768xf32, #tpu.memory_space<vmem>>, vector<16xf32>,
        %swap3A_491 = arith.index_cast %rem3A_221 : i32 to index
        %swap3A_492 = arith.index_cast %scan3A_279 : i32 to index
        %swap3A_493 = arith.constant 416 : index
        %swap3A_494 = tpu.vector_load %arg8[%swap3A_491, %swap3A_492, %swap3A_493] {strides = array<i32>} : memref<4x16x768xf32, #tpu.memory_space<vmem>>, vector<16xf32>,
        tpu.vector_store %arg8[%swap3A_491, %swap3A_492, %swap3A_493], %get3A_490 {add = true, strides = array<i32>} : memref<4x16x768xf32, #tpu.memory_space<vmem>>, vector<16xf32>,
        %get3A_495 = arith.index_cast %rem3A_221 : i32 to index
        %get3A_496 = arith.index_cast %scan3A_279 : i32 to index
        %get3A_497 = arith.constant 432 : index
        %get3A_498 = tpu.vector_load %arg9[%get3A_495, %get3A_496, %get3A_497] {strides = array<i32>} : memref<4x16x768xf32, #tpu.memory_space<vmem>>, vector<16xf32>,
        %swap3A_499 = arith.index_cast %rem3A_221 : i32 to index
        %swap3A_500 = arith.index_cast %scan3A_279 : i32 to index
        %swap3A_501 = arith.constant 432 : index
        %swap3A_502 = tpu.vector_load %arg8[%swap3A_499, %swap3A_500, %swap3A_501] {strides = array<i32>} : memref<4x16x768xf32, #tpu.memory_space<vmem>>, vector<16xf32>,
        tpu.vector_store %arg8[%swap3A_499, %swap3A_500, %swap3A_501], %get3A_498 {add = true, strides = array<i32>} : memref<4x16x768xf32, #tpu.memory_space<vmem>>, vector<16xf32>,
        %get3A_503 = arith.index_cast %rem3A_221 : i32 to index
        %get3A_504 = arith.index_cast %scan3A_279 : i32 to index
        %get3A_505 = arith.constant 448 : index
        %get3A_506 = tpu.vector_load %arg9[%get3A_503, %get3A_504, %get3A_505] {strides = array<i32>} : memref<4x16x768xf32, #tpu.memory_space<vmem>>, vector<16xf32>,
        %swap3A_507 = arith.index_cast %rem3A_221 : i32 to index
        %swap3A_508 = arith.index_cast %scan3A_279 : i32 to index
        %swap3A_509 = arith.constant 448 : index
        %swap3A_510 = tpu.vector_load %arg8[%swap3A_507, %swap3A_508, %swap3A_509] {strides = array<i32>} : memref<4x16x768xf32, #tpu.memory_space<vmem>>, vector<16xf32>,
        tpu.vector_store %arg8[%swap3A_507, %swap3A_508, %swap3A_509], %get3A_506 {add = true, strides = array<i32>} : memref<4x16x768xf32, #tpu.memory_space<vmem>>, vector<16xf32>,
        %get3A_511 = arith.index_cast %rem3A_221 : i32 to index
        %get3A_512 = arith.index_cast %scan3A_279 : i32 to index
        %get3A_513 = arith.constant 464 : index
        %get3A_514 = tpu.vector_load %arg9[%get3A_511, %get3A_512, %get3A_513] {strides = array<i32>} : memref<4x16x768xf32, #tpu.memory_space<vmem>>, vector<16xf32>,
        %swap3A_515 = arith.index_cast %rem3A_221 : i32 to index
        %swap3A_516 = arith.index_cast %scan3A_279 : i32 to index
        %swap3A_517 = arith.constant 464 : index
        %swap3A_518 = tpu.vector_load %arg8[%swap3A_515, %swap3A_516, %swap3A_517] {strides = array<i32>} : memref<4x16x768xf32, #tpu.memory_space<vmem>>, vector<16xf32>,
        tpu.vector_store %arg8[%swap3A_515, %swap3A_516, %swap3A_517], %get3A_514 {add = true, strides = array<i32>} : memref<4x16x768xf32, #tpu.memory_space<vmem>>, vector<16xf32>,
        %get3A_519 = arith.index_cast %rem3A_221 : i32 to index
        %get3A_520 = arith.index_cast %scan3A_279 : i32 to index
        %get3A_521 = arith.constant 480 : index
        %get3A_522 = tpu.vector_load %arg9[%get3A_519, %get3A_520, %get3A_521] {strides = array<i32>} : memref<4x16x768xf32, #tpu.memory_space<vmem>>, vector<16xf32>,
        %swap3A_523 = arith.index_cast %rem3A_221 : i32 to index
        %swap3A_524 = arith.index_cast %scan3A_279 : i32 to index
        %swap3A_525 = arith.constant 480 : index
        %swap3A_526 = tpu.vector_load %arg8[%swap3A_523, %swap3A_524, %swap3A_525] {strides = array<i32>} : memref<4x16x768xf32, #tpu.memory_space<vmem>>, vector<16xf32>,
        tpu.vector_store %arg8[%swap3A_523, %swap3A_524, %swap3A_525], %get3A_522 {add = true, strides = array<i32>} : memref<4x16x768xf32, #tpu.memory_space<vmem>>, vector<16xf32>,
        %get3A_527 = arith.index_cast %rem3A_221 : i32 to index
        %get3A_528 = arith.index_cast %scan3A_279 : i32 to index
        %get3A_529 = arith.constant 496 : index
        %get3A_530 = tpu.vector_load %arg9[%get3A_527, %get3A_528, %get3A_529] {strides = array<i32>} : memref<4x16x768xf32, #tpu.memory_space<vmem>>, vector<16xf32>,
        %swap3A_531 = arith.index_cast %rem3A_221 : i32 to index
        %swap3A_532 = arith.index_cast %scan3A_279 : i32 to index
        %swap3A_533 = arith.constant 496 : index
        %swap3A_534 = tpu.vector_load %arg8[%swap3A_531, %swap3A_532, %swap3A_533] {strides = array<i32>} : memref<4x16x768xf32, #tpu.memory_space<vmem>>, vector<16xf32>,
        tpu.vector_store %arg8[%swap3A_531, %swap3A_532, %swap3A_533], %get3A_530 {add = true, strides = array<i32>} : memref<4x16x768xf32, #tpu.memory_space<vmem>>, vector<16xf32>,
        %get3A_535 = arith.index_cast %rem3A_221 : i32 to index
        %get3A_536 = arith.index_cast %scan3A_279 : i32 to index
        %get3A_537 = arith.constant 512 : index
        %get3A_538 = tpu.vector_load %arg9[%get3A_535, %get3A_536, %get3A_537] {strides = array<i32>} : memref<4x16x768xf32, #tpu.memory_space<vmem>>, vector<16xf32>,
        %swap3A_539 = arith.index_cast %rem3A_221 : i32 to index
        %swap3A_540 = arith.index_cast %scan3A_279 : i32 to index
        %swap3A_541 = arith.constant 512 : index
        %swap3A_542 = tpu.vector_load %arg8[%swap3A_539, %swap3A_540, %swap3A_541] {strides = array<i32>} : memref<4x16x768xf32, #tpu.memory_space<vmem>>, vector<16xf32>,
        tpu.vector_store %arg8[%swap3A_539, %swap3A_540, %swap3A_541], %get3A_538 {add = true, strides = array<i32>} : memref<4x16x768xf32, #tpu.memory_space<vmem>>, vector<16xf32>,
        %get3A_543 = arith.index_cast %rem3A_221 : i32 to index
        %get3A_544 = arith.index_cast %scan3A_279 : i32 to index
        %get3A_545 = arith.constant 528 : index
        %get3A_546 = tpu.vector_load %arg9[%get3A_543, %get3A_544, %get3A_545] {strides = array<i32>} : memref<4x16x768xf32, #tpu.memory_space<vmem>>, vector<16xf32>,
        %swap3A_547 = arith.index_cast %rem3A_221 : i32 to index
        %swap3A_548 = arith.index_cast %scan3A_279 : i32 to index
        %swap3A_549 = arith.constant 528 : index
        %swap3A_550 = tpu.vector_load %arg8[%swap3A_547, %swap3A_548, %swap3A_549] {strides = array<i32>} : memref<4x16x768xf32, #tpu.memory_space<vmem>>, vector<16xf32>,
        tpu.vector_store %arg8[%swap3A_547, %swap3A_548, %swap3A_549], %get3A_546 {add = true, strides = array<i32>} : memref<4x16x768xf32, #tpu.memory_space<vmem>>, vector<16xf32>,
        %get3A_551 = arith.index_cast %rem3A_221 : i32 to index
        %get3A_552 = arith.index_cast %scan3A_279 : i32 to index
        %get3A_553 = arith.constant 544 : index
        %get3A_554 = tpu.vector_load %arg9[%get3A_551, %get3A_552, %get3A_553] {strides = array<i32>} : memref<4x16x768xf32, #tpu.memory_space<vmem>>, vector<16xf32>,
        %swap3A_555 = arith.index_cast %rem3A_221 : i32 to index
        %swap3A_556 = arith.index_cast %scan3A_279 : i32 to index
        %swap3A_557 = arith.constant 544 : index
        %swap3A_558 = tpu.vector_load %arg8[%swap3A_555, %swap3A_556, %swap3A_557] {strides = array<i32>} : memref<4x16x768xf32, #tpu.memory_space<vmem>>, vector<16xf32>,
        tpu.vector_store %arg8[%swap3A_555, %swap3A_556, %swap3A_557], %get3A_554 {add = true, strides = array<i32>} : memref<4x16x768xf32, #tpu.memory_space<vmem>>, vector<16xf32>,
        %get3A_559 = arith.index_cast %rem3A_221 : i32 to index
        %get3A_560 = arith.index_cast %scan3A_279 : i32 to index
        %get3A_561 = arith.constant 560 : index
        %get3A_562 = tpu.vector_load %arg9[%get3A_559, %get3A_560, %get3A_561] {strides = array<i32>} : memref<4x16x768xf32, #tpu.memory_space<vmem>>, vector<16xf32>,
        %swap3A_563 = arith.index_cast %rem3A_221 : i32 to index
        %swap3A_564 = arith.index_cast %scan3A_279 : i32 to index
        %swap3A_565 = arith.constant 560 : index
        %swap3A_566 = tpu.vector_load %arg8[%swap3A_563, %swap3A_564, %swap3A_565] {strides = array<i32>} : memref<4x16x768xf32, #tpu.memory_space<vmem>>, vector<16xf32>,
        tpu.vector_store %arg8[%swap3A_563, %swap3A_564, %swap3A_565], %get3A_562 {add = true, strides = array<i32>} : memref<4x16x768xf32, #tpu.memory_space<vmem>>, vector<16xf32>,
        %get3A_567 = arith.index_cast %rem3A_221 : i32 to index
        %get3A_568 = arith.index_cast %scan3A_279 : i32 to index
        %get3A_569 = arith.constant 576 : index
        %get3A_570 = tpu.vector_load %arg9[%get3A_567, %get3A_568, %get3A_569] {strides = array<i32>} : memref<4x16x768xf32, #tpu.memory_space<vmem>>, vector<16xf32>,
        %swap3A_571 = arith.index_cast %rem3A_221 : i32 to index
        %swap3A_572 = arith.index_cast %scan3A_279 : i32 to index
        %swap3A_573 = arith.constant 576 : index
        %swap3A_574 = tpu.vector_load %arg8[%swap3A_571, %swap3A_572, %swap3A_573] {strides = array<i32>} : memref<4x16x768xf32, #tpu.memory_space<vmem>>, vector<16xf32>,
        tpu.vector_store %arg8[%swap3A_571, %swap3A_572, %swap3A_573], %get3A_570 {add = true, strides = array<i32>} : memref<4x16x768xf32, #tpu.memory_space<vmem>>, vector<16xf32>,
        %get3A_575 = arith.index_cast %rem3A_221 : i32 to index
        %get3A_576 = arith.index_cast %scan3A_279 : i32 to index
        %get3A_577 = arith.constant 592 : index
        %get3A_578 = tpu.vector_load %arg9[%get3A_575, %get3A_576, %get3A_577] {strides = array<i32>} : memref<4x16x768xf32, #tpu.memory_space<vmem>>, vector<16xf32>,
        %swap3A_579 = arith.index_cast %rem3A_221 : i32 to index
        %swap3A_580 = arith.index_cast %scan3A_279 : i32 to index
        %swap3A_581 = arith.constant 592 : index
        %swap3A_582 = tpu.vector_load %arg8[%swap3A_579, %swap3A_580, %swap3A_581] {strides = array<i32>} : memref<4x16x768xf32, #tpu.memory_space<vmem>>, vector<16xf32>,
        tpu.vector_store %arg8[%swap3A_579, %swap3A_580, %swap3A_581], %get3A_578 {add = true, strides = array<i32>} : memref<4x16x768xf32, #tpu.memory_space<vmem>>, vector<16xf32>,
        %get3A_583 = arith.index_cast %rem3A_221 : i32 to index
        %get3A_584 = arith.index_cast %scan3A_279 : i32 to index
        %get3A_585 = arith.constant 608 : index
        %get3A_586 = tpu.vector_load %arg9[%get3A_583, %get3A_584, %get3A_585] {strides = array<i32>} : memref<4x16x768xf32, #tpu.memory_space<vmem>>, vector<16xf32>,
        %swap3A_587 = arith.index_cast %rem3A_221 : i32 to index
        %swap3A_588 = arith.index_cast %scan3A_279 : i32 to index
        %swap3A_589 = arith.constant 608 : index
        %swap3A_590 = tpu.vector_load %arg8[%swap3A_587, %swap3A_588, %swap3A_589] {strides = array<i32>} : memref<4x16x768xf32, #tpu.memory_space<vmem>>, vector<16xf32>,
        tpu.vector_store %arg8[%swap3A_587, %swap3A_588, %swap3A_589], %get3A_586 {add = true, strides = array<i32>} : memref<4x16x768xf32, #tpu.memory_space<vmem>>, vector<16xf32>,
        %get3A_591 = arith.index_cast %rem3A_221 : i32 to index
        %get3A_592 = arith.index_cast %scan3A_279 : i32 to index
        %get3A_593 = arith.constant 624 : index
        %get3A_594 = tpu.vector_load %arg9[%get3A_591, %get3A_592, %get3A_593] {strides = array<i32>} : memref<4x16x768xf32, #tpu.memory_space<vmem>>, vector<16xf32>,
        %swap3A_595 = arith.index_cast %rem3A_221 : i32 to index
        %swap3A_596 = arith.index_cast %scan3A_279 : i32 to index
        %swap3A_597 = arith.constant 624 : index
        %swap3A_598 = tpu.vector_load %arg8[%swap3A_595, %swap3A_596, %swap3A_597] {strides = array<i32>} : memref<4x16x768xf32, #tpu.memory_space<vmem>>, vector<16xf32>,
        tpu.vector_store %arg8[%swap3A_595, %swap3A_596, %swap3A_597], %get3A_594 {add = true, strides = array<i32>} : memref<4x16x768xf32, #tpu.memory_space<vmem>>, vector<16xf32>,
        %get3A_599 = arith.index_cast %rem3A_221 : i32 to index
        %get3A_600 = arith.index_cast %scan3A_279 : i32 to index
        %get3A_601 = arith.constant 640 : index
        %get3A_602 = tpu.vector_load %arg9[%get3A_599, %get3A_600, %get3A_601] {strides = array<i32>} : memref<4x16x768xf32, #tpu.memory_space<vmem>>, vector<16xf32>,
        %swap3A_603 = arith.index_cast %rem3A_221 : i32 to index
        %swap3A_604 = arith.index_cast %scan3A_279 : i32 to index
        %swap3A_605 = arith.constant 640 : index
        %swap3A_606 = tpu.vector_load %arg8[%swap3A_603, %swap3A_604, %swap3A_605] {strides = array<i32>} : memref<4x16x768xf32, #tpu.memory_space<vmem>>, vector<16xf32>,
        tpu.vector_store %arg8[%swap3A_603, %swap3A_604, %swap3A_605], %get3A_602 {add = true, strides = array<i32>} : memref<4x16x768xf32, #tpu.memory_space<vmem>>, vector<16xf32>,
        %get3A_607 = arith.index_cast %rem3A_221 : i32 to index
        %get3A_608 = arith.index_cast %scan3A_279 : i32 to index
        %get3A_609 = arith.constant 656 : index
        %get3A_610 = tpu.vector_load %arg9[%get3A_607, %get3A_608, %get3A_609] {strides = array<i32>} : memref<4x16x768xf32, #tpu.memory_space<vmem>>, vector<16xf32>,
        %swap3A_611 = arith.index_cast %rem3A_221 : i32 to index
        %swap3A_612 = arith.index_cast %scan3A_279 : i32 to index
        %swap3A_613 = arith.constant 656 : index
        %swap3A_614 = tpu.vector_load %arg8[%swap3A_611, %swap3A_612, %swap3A_613] {strides = array<i32>} : memref<4x16x768xf32, #tpu.memory_space<vmem>>, vector<16xf32>,
        tpu.vector_store %arg8[%swap3A_611, %swap3A_612, %swap3A_613], %get3A_610 {add = true, strides = array<i32>} : memref<4x16x768xf32, #tpu.memory_space<vmem>>, vector<16xf32>,
        %get3A_615 = arith.index_cast %rem3A_221 : i32 to index
        %get3A_616 = arith.index_cast %scan3A_279 : i32 to index
        %get3A_617 = arith.constant 672 : index
        %get3A_618 = tpu.vector_load %arg9[%get3A_615, %get3A_616, %get3A_617] {strides = array<i32>} : memref<4x16x768xf32, #tpu.memory_space<vmem>>, vector<16xf32>,
        %swap3A_619 = arith.index_cast %rem3A_221 : i32 to index
        %swap3A_620 = arith.index_cast %scan3A_279 : i32 to index
        %swap3A_621 = arith.constant 672 : index
        %swap3A_622 = tpu.vector_load %arg8[%swap3A_619, %swap3A_620, %swap3A_621] {strides = array<i32>} : memref<4x16x768xf32, #tpu.memory_space<vmem>>, vector<16xf32>,
        tpu.vector_store %arg8[%swap3A_619, %swap3A_620, %swap3A_621], %get3A_618 {add = true, strides = array<i32>} : memref<4x16x768xf32, #tpu.memory_space<vmem>>, vector<16xf32>,
        %get3A_623 = arith.index_cast %rem3A_221 : i32 to index
        %get3A_624 = arith.index_cast %scan3A_279 : i32 to index
        %get3A_625 = arith.constant 688 : index
        %get3A_626 = tpu.vector_load %arg9[%get3A_623, %get3A_624, %get3A_625] {strides = array<i32>} : memref<4x16x768xf32, #tpu.memory_space<vmem>>, vector<16xf32>,
        %swap3A_627 = arith.index_cast %rem3A_221 : i32 to index
        %swap3A_628 = arith.index_cast %scan3A_279 : i32 to index
        %swap3A_629 = arith.constant 688 : index
        %swap3A_630 = tpu.vector_load %arg8[%swap3A_627, %swap3A_628, %swap3A_629] {strides = array<i32>} : memref<4x16x768xf32, #tpu.memory_space<vmem>>, vector<16xf32>,
        tpu.vector_store %arg8[%swap3A_627, %swap3A_628, %swap3A_629], %get3A_626 {add = true, strides = array<i32>} : memref<4x16x768xf32, #tpu.memory_space<vmem>>, vector<16xf32>,
        %get3A_631 = arith.index_cast %rem3A_221 : i32 to index
        %get3A_632 = arith.index_cast %scan3A_279 : i32 to index
        %get3A_633 = arith.constant 704 : index
        %get3A_634 = tpu.vector_load %arg9[%get3A_631, %get3A_632, %get3A_633] {strides = array<i32>} : memref<4x16x768xf32, #tpu.memory_space<vmem>>, vector<16xf32>,
        %swap3A_635 = arith.index_cast %rem3A_221 : i32 to index
        %swap3A_636 = arith.index_cast %scan3A_279 : i32 to index
        %swap3A_637 = arith.constant 704 : index
        %swap3A_638 = tpu.vector_load %arg8[%swap3A_635, %swap3A_636, %swap3A_637] {strides = array<i32>} : memref<4x16x768xf32, #tpu.memory_space<vmem>>, vector<16xf32>,
        tpu.vector_store %arg8[%swap3A_635, %swap3A_636, %swap3A_637], %get3A_634 {add = true, strides = array<i32>} : memref<4x16x768xf32, #tpu.memory_space<vmem>>, vector<16xf32>,
        %get3A_639 = arith.index_cast %rem3A_221 : i32 to index
        %get3A_640 = arith.index_cast %scan3A_279 : i32 to index
        %get3A_641 = arith.constant 720 : index
        %get3A_642 = tpu.vector_load %arg9[%get3A_639, %get3A_640, %get3A_641] {strides = array<i32>} : memref<4x16x768xf32, #tpu.memory_space<vmem>>, vector<16xf32>,
        %swap3A_643 = arith.index_cast %rem3A_221 : i32 to index
        %swap3A_644 = arith.index_cast %scan3A_279 : i32 to index
        %swap3A_645 = arith.constant 720 : index
        %swap3A_646 = tpu.vector_load %arg8[%swap3A_643, %swap3A_644, %swap3A_645] {strides = array<i32>} : memref<4x16x768xf32, #tpu.memory_space<vmem>>, vector<16xf32>,
        tpu.vector_store %arg8[%swap3A_643, %swap3A_644, %swap3A_645], %get3A_642 {add = true, strides = array<i32>} : memref<4x16x768xf32, #tpu.memory_space<vmem>>, vector<16xf32>,
        %get3A_647 = arith.index_cast %rem3A_221 : i32 to index
        %get3A_648 = arith.index_cast %scan3A_279 : i32 to index
        %get3A_649 = arith.constant 736 : index
        %get3A_650 = tpu.vector_load %arg9[%get3A_647, %get3A_648, %get3A_649] {strides = array<i32>} : memref<4x16x768xf32, #tpu.memory_space<vmem>>, vector<16xf32>,
        %swap3A_651 = arith.index_cast %rem3A_221 : i32 to index
        %swap3A_652 = arith.index_cast %scan3A_279 : i32 to index
        %swap3A_653 = arith.constant 736 : index
        %swap3A_654 = tpu.vector_load %arg8[%swap3A_651, %swap3A_652, %swap3A_653] {strides = array<i32>} : memref<4x16x768xf32, #tpu.memory_space<vmem>>, vector<16xf32>,
        tpu.vector_store %arg8[%swap3A_651, %swap3A_652, %swap3A_653], %get3A_650 {add = true, strides = array<i32>} : memref<4x16x768xf32, #tpu.memory_space<vmem>>, vector<16xf32>,
        %get3A_655 = arith.index_cast %rem3A_221 : i32 to index
        %get3A_656 = arith.index_cast %scan3A_279 : i32 to index
        %get3A_657 = arith.constant 752 : index
        %get3A_658 = tpu.vector_load %arg9[%get3A_655, %get3A_656, %get3A_657] {strides = array<i32>} : memref<4x16x768xf32, #tpu.memory_space<vmem>>, vector<16xf32>,
        %swap3A_659 = arith.index_cast %rem3A_221 : i32 to index
        %swap3A_660 = arith.index_cast %scan3A_279 : i32 to index
        %swap3A_661 = arith.constant 752 : index
        %swap3A_662 = tpu.vector_load %arg8[%swap3A_659, %swap3A_660, %swap3A_661] {strides = array<i32>} : memref<4x16x768xf32, #tpu.memory_space<vmem>>, vector<16xf32>,
        tpu.vector_store %arg8[%swap3A_659, %swap3A_660, %swap3A_661], %get3A_658 {add = true, strides = array<i32>} : memref<4x16x768xf32, #tpu.memory_space<vmem>>, vector<16xf32>,
        %scan3A_663 = arith.constant 0 : i32
        scf.yield %scan3A_663 : i32
      }
      %scan3A_262 = arith.constant 16 : i32
      %mul3A_263 = arith.constant 16 : i32
      %mul3A_264 = arith.muli %scan3A_218, %mul3A_263 : i32
      %add3A_265 = arith.addi %mul3A_32, %mul3A_264 : i32
      %dma_start3A_266 = arith.constant 0 : i32
      %dma_start3A_267 = arith.constant 0 : i32
      %dma_start3A_268 = tpu.memref_slice %arg8[%rem3A_221, %dma_start3A_266, %dma_start3A_267] : memref<4x16x768xf32, #tpu.memory_space<vmem>> -> memref<1x16x768xf32, #tpu.memory_space<vmem>>
      %dma_start3A_269 = tpu.memref_squeeze %dma_start3A_268 : memref<1x16x768xf32, #tpu.memory_space<vmem>> -> memref<16x768xf32, #tpu.memory_space<vmem>>
      %dma_start3A_270 = arith.constant 0 : i32
      %dma_start3A_271 = tpu.memref_slice %arg5[%add3A_265, %dma_start3A_270] : memref<16384x768xf32, #tpu.memory_space<hbm>> -> memref<16x768xf32, #tpu.memory_space<hbm>>
      %dma_start3A_272 = arith.constant 0 : i32
      %dma_start3A_273 = tpu.memref_slice %arg5[%add3A_265, %dma_start3A_272] : memref<16384x768xf32, #tpu.memory_space<hbm>> -> memref<16x768xf32, #tpu.memory_space<hbm>>
      %dma_start3A_274 = arith.constant 0 : i32
      %dma_start3A_275 = arith.constant 0 : i32
      %dma_start3A_276 = tpu.memref_slice %arg8[%rem3A_221, %dma_start3A_274, %dma_start3A_275] : memref<4x16x768xf32, #tpu.memory_space<vmem>> -> memref<1x16x768xf32, #tpu.memory_space<vmem>>
      %dma_start3A_277 = tpu.memref_squeeze %dma_start3A_276 : memref<1x16x768xf32, #tpu.memory_space<vmem>> -> memref<16x768xf32, #tpu.memory_space<vmem>>
      tpu.enqueue_dma source(%dma_start3A_277 : memref<16x768xf32, #tpu.memory_space<vmem>>) target(%dma_start3A_273 : memref<16x768xf32, #tpu.memory_space<hbm>>) target_semaphore(%arg12 : memref<!tpu.dma_semaphore, #tpu.memory_space<semaphore_mem>>)
      %scan3A_278 = arith.constant 0 : i32
      scf.yield %scan3A_278 : i32
    }
    %scan3A_158 = arith.constant 32 : i32
    %add3A_159 = arith.constant 448 : i32
    %add3A_160 = arith.addi %mul3A_32, %add3A_159 : i32
    %dma_wait3A = arith.constant 0 : i32
    %dma_wait3A_161 = arith.constant 0 : i32
    %dma_wait3A_162 = arith.constant 0 : i32
    %dma_wait3A_163 = tpu.memref_slice %arg8[%dma_wait3A, %dma_wait3A_161, %dma_wait3A_162] : memref<4x16x768xf32, #tpu.memory_space<vmem>> -> memref<1x16x768xf32, #tpu.memory_space<vmem>>
    %dma_wait3A_164 = tpu.memref_squeeze %dma_wait3A_163 : memref<1x16x768xf32, #tpu.memory_space<vmem>> -> memref<16x768xf32, #tpu.memory_space<vmem>>
    %dma_wait3A_165 = arith.constant 0 : i32
    %dma_wait3A_166 = tpu.memref_slice %arg5[%add3A_160, %dma_wait3A_165] : memref<16384x768xf32, #tpu.memory_space<hbm>> -> memref<16x768xf32, #tpu.memory_space<hbm>>
    %dma_wait3A_167 = arith.constant 0 : i32
    %dma_wait3A_168 = tpu.memref_slice %arg5[%add3A_160, %dma_wait3A_167] : memref<16384x768xf32, #tpu.memory_space<hbm>> -> memref<16x768xf32, #tpu.memory_space<hbm>>
    %dma_wait3A_169 = arith.constant 0 : i32
    %dma_wait3A_170 = arith.constant 0 : i32
    %dma_wait3A_171 = tpu.memref_slice %arg8[%dma_wait3A, %dma_wait3A_169, %dma_wait3A_170] : memref<4x16x768xf32, #tpu.memory_space<vmem>> -> memref<1x16x768xf32, #tpu.memory_space<vmem>>
    %dma_wait3A_172 = tpu.memref_squeeze %dma_wait3A_171 : memref<1x16x768xf32, #tpu.memory_space<vmem>> -> memref<16x768xf32, #tpu.memory_space<vmem>>
    tpu.wait_dma2 semaphore(%arg12 : memref<!tpu.dma_semaphore, #tpu.memory_space<semaphore_mem>>) src(%dma_wait3A_172 : memref<16x768xf32, #tpu.memory_space<vmem>>) dst(%dma_wait3A_168 : memref<16x768xf32, #tpu.memory_space<hbm>>)
    %add3A_173 = arith.constant 464 : i32
    %add3A_174 = arith.addi %mul3A_32, %add3A_173 : i32
    %dma_wait3A_175 = arith.constant 1 : i32
    %dma_wait3A_176 = arith.constant 0 : i32
    %dma_wait3A_177 = arith.constant 0 : i32
    %dma_wait3A_178 = tpu.memref_slice %arg8[%dma_wait3A_175, %dma_wait3A_176, %dma_wait3A_177] : memref<4x16x768xf32, #tpu.memory_space<vmem>> -> memref<1x16x768xf32, #tpu.memory_space<vmem>>
    %dma_wait3A_179 = tpu.memref_squeeze %dma_wait3A_178 : memref<1x16x768xf32, #tpu.memory_space<vmem>> -> memref<16x768xf32, #tpu.memory_space<vmem>>
    %dma_wait3A_180 = arith.constant 0 : i32
    %dma_wait3A_181 = tpu.memref_slice %arg5[%add3A_174, %dma_wait3A_180] : memref<16384x768xf32, #tpu.memory_space<hbm>> -> memref<16x768xf32, #tpu.memory_space<hbm>>
    %dma_wait3A_182 = arith.constant 0 : i32
    %dma_wait3A_183 = tpu.memref_slice %arg5[%add3A_174, %dma_wait3A_182] : memref<16384x768xf32, #tpu.memory_space<hbm>> -> memref<16x768xf32, #tpu.memory_space<hbm>>
    %dma_wait3A_184 = arith.constant 0 : i32
    %dma_wait3A_185 = arith.constant 0 : i32
    %dma_wait3A_186 = tpu.memref_slice %arg8[%dma_wait3A_175, %dma_wait3A_184, %dma_wait3A_185] : memref<4x16x768xf32, #tpu.memory_space<vmem>> -> memref<1x16x768xf32, #tpu.memory_space<vmem>>
    %dma_wait3A_187 = tpu.memref_squeeze %dma_wait3A_186 : memref<1x16x768xf32, #tpu.memory_space<vmem>> -> memref<16x768xf32, #tpu.memory_space<vmem>>
    tpu.wait_dma2 semaphore(%arg12 : memref<!tpu.dma_semaphore, #tpu.memory_space<semaphore_mem>>) src(%dma_wait3A_187 : memref<16x768xf32, #tpu.memory_space<vmem>>) dst(%dma_wait3A_183 : memref<16x768xf32, #tpu.memory_space<hbm>>)
    %add3A_188 = arith.constant 480 : i32
    %add3A_189 = arith.addi %mul3A_32, %add3A_188 : i32
    %dma_wait3A_190 = arith.constant 2 : i32
    %dma_wait3A_191 = arith.constant 0 : i32
    %dma_wait3A_192 = arith.constant 0 : i32
    %dma_wait3A_193 = tpu.memref_slice %arg8[%dma_wait3A_190, %dma_wait3A_191, %dma_wait3A_192] : memref<4x16x768xf32, #tpu.memory_space<vmem>> -> memref<1x16x768xf32, #tpu.memory_space<vmem>>
    %dma_wait3A_194 = tpu.memref_squeeze %dma_wait3A_193 : memref<1x16x768xf32, #tpu.memory_space<vmem>> -> memref<16x768xf32, #tpu.memory_space<vmem>>
    %dma_wait3A_195 = arith.constant 0 : i32
    %dma_wait3A_196 = tpu.memref_slice %arg5[%add3A_189, %dma_wait3A_195] : memref<16384x768xf32, #tpu.memory_space<hbm>> -> memref<16x768xf32, #tpu.memory_space<hbm>>
    %dma_wait3A_197 = arith.constant 0 : i32
    %dma_wait3A_198 = tpu.memref_slice %arg5[%add3A_189, %dma_wait3A_197] : memref<16384x768xf32, #tpu.memory_space<hbm>> -> memref<16x768xf32, #tpu.memory_space<hbm>>
    %dma_wait3A_199 = arith.constant 0 : i32
    %dma_wait3A_200 = arith.constant 0 : i32
    %dma_wait3A_201 = tpu.memref_slice %arg8[%dma_wait3A_190, %dma_wait3A_199, %dma_wait3A_200] : memref<4x16x768xf32, #tpu.memory_space<vmem>> -> memref<1x16x768xf32, #tpu.memory_space<vmem>>
    %dma_wait3A_202 = tpu.memref_squeeze %dma_wait3A_201 : memref<1x16x768xf32, #tpu.memory_space<vmem>> -> memref<16x768xf32, #tpu.memory_space<vmem>>
    tpu.wait_dma2 semaphore(%arg12 : memref<!tpu.dma_semaphore, #tpu.memory_space<semaphore_mem>>) src(%dma_wait3A_202 : memref<16x768xf32, #tpu.memory_space<vmem>>) dst(%dma_wait3A_198 : memref<16x768xf32, #tpu.memory_space<hbm>>)
    %add3A_203 = arith.constant 496 : i32
    %add3A_204 = arith.addi %mul3A_32, %add3A_203 : i32
    %dma_wait3A_205 = arith.constant 3 : i32
    %dma_wait3A_206 = arith.constant 0 : i32
    %dma_wait3A_207 = arith.constant 0 : i32
    %dma_wait3A_208 = tpu.memref_slice %arg8[%dma_wait3A_205, %dma_wait3A_206, %dma_wait3A_207] : memref<4x16x768xf32, #tpu.memory_space<vmem>> -> memref<1x16x768xf32, #tpu.memory_space<vmem>>
    %dma_wait3A_209 = tpu.memref_squeeze %dma_wait3A_208 : memref<1x16x768xf32, #tpu.memory_space<vmem>> -> memref<16x768xf32, #tpu.memory_space<vmem>>
    %dma_wait3A_210 = arith.constant 0 : i32
    %dma_wait3A_211 = tpu.memref_slice %arg5[%add3A_204, %dma_wait3A_210] : memref<16384x768xf32, #tpu.memory_space<hbm>> -> memref<16x768xf32, #tpu.memory_space<hbm>>
    %dma_wait3A_212 = arith.constant 0 : i32
    %dma_wait3A_213 = tpu.memref_slice %arg5[%add3A_204, %dma_wait3A_212] : memref<16384x768xf32, #tpu.memory_space<hbm>> -> memref<16x768xf32, #tpu.memory_space<hbm>>
    %dma_wait3A_214 = arith.constant 0 : i32
    %dma_wait3A_215 = arith.constant 0 : i32
    %dma_wait3A_216 = tpu.memref_slice %arg8[%dma_wait3A_205, %dma_wait3A_214, %dma_wait3A_215] : memref<4x16x768xf32, #tpu.memory_space<vmem>> -> memref<1x16x768xf32, #tpu.memory_space<vmem>>
    %dma_wait3A_217 = tpu.memref_squeeze %dma_wait3A_216 : memref<1x16x768xf32, #tpu.memory_space<vmem>> -> memref<16x768xf32, #tpu.memory_space<vmem>>
    tpu.wait_dma2 semaphore(%arg12 : memref<!tpu.dma_semaphore, #tpu.memory_space<semaphore_mem>>) src(%dma_wait3A_217 : memref<16x768xf32, #tpu.memory_space<vmem>>) dst(%dma_wait3A_213 : memref<16x768xf32, #tpu.memory_space<hbm>>)
    return
  }
}

</mosaic_0001>

<sc_bundles>
// kernel: kernel.3.cloned.1.call-start
scs
__scs_entry_jumppad:
0x0: {  	(pc) =	sbr.rel $0x88, $3  }
0x1: {  	(tag) =	ssettag $0x0;
	lr =	simm.s32 $0x1  }
0x2: {  	[smem:$0x3F9E] =	sst lr;
	_ =	strace $0xD0000000  }
0x3: {  	_ = 	snop  }
0x4: {  	_ = 	snop  }
0x5: {  	_ = 	snop  }
0x6: {  	_ = 	snop  }
0x7: {  	_ = 	snop  }
__scs_overlays_trampoline_lowered:
0x8: {  	[smem:$0x3FAD] =	sst s0  }
0x9: {  	[smem:$0x3FAE] =	sst s1  }
0xa: {  	[smem:$0x3FAF] =	sst s2  }
0xb: {  	[smem:$0x3FB0] =	sst s3  }
0xc: {  	[smem:$0x3FB1] =	sst s4  }
0xd: {  	[smem:$0x3FB2] =	sst s5  }
0xe: {  	[smem:$0x3FB3] =	sst s6  }
0xf: {  	[smem:$0x3FB4] =	sst s7  }
0x10: {  	[smem:$0x3FB5] =	sst s8  }
0x11: {  	[smem:$0x3FB6] =	sst s9;
	s0 =	simm.s32 @!p0 $0x0  }
0x12: {  	s1 =	sld [smem:$0x3F9C];
	s0 =	simm.s32 @p0 $0x1  }
0x13: {  	[smem:$0x3FB7] =	sst s0;
	s0 =	simm.s32 @!p1 $0x0  }
0x14: {  	s2 =	sld [smem:$0x3F9B];
	s0 =	simm.s32 @p1 $0x1  }
0x15: {  	[smem:$0x3FB8] =	sst s0;
	s0 =	simm.s32 @!p2 $0x0  }
0x16: {  	s3 =	sld [smem:$0x3FDB];
	s0 =	simm.s32 @p2 $0x1  }
0x17: {  	s4 =	simm.s32 $0x1BF5;
	[smem:$0x3FBA] =	sst s0  }
0x18: {  	s0 =	sld [smem:$0x3F9D];
	_ =	swait.ge [sflag:s4], $0x0  }
0x19: {  	s7 =	sld [smem:$0x3F9E]  }
0x1a: {  	s8 =	sadd.s32 $0xFFFFE003, lr  }
0x1b: {  	s9 =	sadd.s32 $0xFFFFFEF7, lr;
	s5 =	simm.s32 $0xFFFFFFFF;
	p2 =	slt.u32 s8, $0xFFFFF086  }
0x1c: {  	p1 =	slt.u32 s9, $0xF7A;
	s5 =	simm.s32 @!p2 $0x0  }
0x1d: {  	s5 =	simm.s32 @p1 $0x1;
	p0 =	seq.s32 s7, s2  }
0x1e: {  	s7 =	smul.u32 @!p0 $0xF7A, s2;
	p2 =	seq.s32 @!p0 s5, $0x0  }
0x1f: {  	s9 =	smul.u32 $0xF7A, s1;
	s8 =	simm.s32 @!p0 $0x1BF5;
	p2 =	por !p2, p0  }
0x20: {  	[sflag:s8] =	ssyncset.s32 @!p0 $0xFFFFF086;
	s6 =	sadd.s32 @!p0 s3, s7;
	s7 =	simm.s32 @!p0 $0x108  }
0x21: {  	s3 =	sadd.s32 s3, s9;
	s6 =	sadd.s32 @!p0 $0x88, s6;
	s7 =	simm.s32 @p2 $0x1082  }
0x22: {  	[simem:s7], [sflag:s8] =	dma.local @!p0 [hbm:s6], $0xF7A  }
0x23: {  	s9 =	sor.u32 $0xD0000000, s2;
	s6 =	simm.s32 $0x108;
	_ =	swait.ge @!p0 [sflag:s8], $0x0  }
0x24: {  	s3 =	sadd.s32 $0x88, s3;
	s6 =	simm.s32 @!p1 $0x1082;
	[sflag:s4] =	ssyncset.s32 $0xFFFFF086  }
0x25: {  	[simem:s6], [sflag:s4] =	dma.local [hbm:s3], $0xF7A  }
0x26: {  	[smem:$0x3F9E] =	sst s1;
	(tag) =	ssettag s2;
	_ =	strace s9  }
0x27: {  	s1 =	sld [smem:$0x3FAE]  }
0x28: {  	s2 =	sld [smem:$0x3FAF]  }
0x29: {  	s4 =	sld [smem:$0x3FB1]  }
0x2a: {  	p0 =	seq.s32 s5, $0x0;
	s5 =	sld [smem:$0x3FB2]  }
0x2b: {  	s6 =	sld [smem:$0x3FB3]  }
0x2c: {  	s7 =	sld [smem:$0x3FB4]  }
0x2d: {  	s3 =	simm.s32 $0x108;
	s8 =	sld [smem:$0x3FB5]  }
0x2e: {  	s3 =	simm.s32 @!p0 $0x1082;
	s9 =	sld [smem:$0x3FB6]  }
0x2f: {  	lr =	sadd.s32 s0, s3;
	s0 =	sld [smem:$0x3FAD]  }
0x30: {  	s3 =	sld [smem:$0x3FB0]  }
0x31: {  	[smem:$0x3FB9] =	sst s10  }
0x32: {  	s10 =	sld [smem:$0x3FB7];
	_ =	sdelay $0x3  }
0x33: {  	p0 =	seq.s32 s10, $0x1;
	s10 =	sld [smem:$0x3FB9];
	_ =	sdelay $0x3  }
0x34: {  	[smem:$0x3FB9] =	sst s10  }
0x35: {  	s10 =	sld [smem:$0x3FB8];
	_ =	sdelay $0x3  }
0x36: {  	p1 =	seq.s32 s10, $0x1;
	s10 =	sld [smem:$0x3FB9];
	_ =	sdelay $0x3  }
0x37: {  	[smem:$0x3FB9] =	sst s10  }
0x38: {  	s10 =	sld [smem:$0x3FBA]  }
0x39: {  	_ = 	snop;
	(pc) =	sbr.ind lr, $3  }
0x3a: {  	_ = 	snop  }
0x3b: {  	_ = 	snop  }
0x3c: {  	p2 =	seq.s32 s10, $0x1;
	s10 =	sld [smem:$0x3FB9]  }
0x3d: {  	_ =	shalt  }
0x3e: {  	_ =	shalt  }
0x3f: {  	_ =	shalt  }
0x40: {  	_ =	shalt  }
0x41: {  	_ =	shalt  }
0x42: {  	_ =	shalt  }
0x43: {  	_ =	shalt  }
0x44: {  	_ =	shalt  }
0x45: {  	_ =	shalt  }
0x46: {  	_ =	shalt  }
0x47: {  	_ =	shalt  }
0x48: {  	_ =	shalt  }
0x49: {  	_ =	shalt  }
0x4a: {  	_ =	shalt  }
0x4b: {  	_ =	shalt  }
0x4c: {  	_ =	shalt  }
0x4d: {  	_ =	shalt  }
0x4e: {  	_ =	shalt  }
0x4f: {  	_ =	shalt  }
0x50: {  	_ =	shalt  }
0x51: {  	_ =	shalt  }
0x52: {  	_ =	shalt  }
0x53: {  	_ =	shalt  }
0x54: {  	_ =	shalt  }
0x55: {  	_ =	shalt  }
0x56: {  	_ =	shalt  }
0x57: {  	_ =	shalt  }
0x58: {  	_ =	shalt  }
0x59: {  	_ =	shalt  }
0x5a: {  	_ =	shalt  }
0x5b: {  	_ =	shalt  }
0x5c: {  	_ =	shalt  }
0x5d: {  	_ =	shalt  }
0x5e: {  	_ =	shalt  }
0x5f: {  	_ =	shalt  }
0x60: {  	_ =	shalt  }
0x61: {  	_ =	shalt  }
0x62: {  	_ =	shalt  }
0x63: {  	_ =	shalt  }
0x64: {  	_ =	shalt  }
0x65: {  	_ =	shalt  }
0x66: {  	_ =	shalt  }
0x67: {  	_ =	shalt  }
0x68: {  	_ =	shalt  }
0x69: {  	_ =	shalt  }
0x6a: {  	_ =	shalt  }
0x6b: {  	_ =	shalt  }
0x6c: {  	_ =	shalt  }
0x6d: {  	_ =	shalt  }
0x6e: {  	_ =	shalt  }
0x6f: {  	_ =	shalt  }
0x70: {  	_ =	shalt  }
0x71: {  	_ =	shalt  }
0x72: {  	_ =	shalt  }
0x73: {  	_ =	shalt  }
0x74: {  	_ =	shalt  }
0x75: {  	_ =	shalt  }
0x76: {  	_ =	shalt  }
0x77: {  	_ =	shalt  }
0x78: {  	_ =	shalt  }
0x79: {  	_ =	shalt  }
0x7a: {  	_ =	shalt  }
0x7b: {  	_ =	shalt  }
0x7c: {  	_ =	shalt  }
0x7d: {  	_ =	shalt  }
0x7e: {  	_ =	shalt  }
0x7f: {  	_ =	shalt  }
0x80: {  	_ =	shalt  }
0x81: {  	_ =	shalt  }
0x82: {  	_ =	shalt  }
0x83: {  	_ =	shalt  }
0x84: {  	_ =	shalt  }
0x85: {  	_ =	shalt  }
0x86: {  	_ =	shalt  }
0x87: {  	_ =	shalt  }
.Lfunc_end0:
.L_simem_size_0:
called_computation_lowered:
.L_overlay_start_0:
0x88: {  	s2 =	sld [smem:$0x3FD9]  }
0x89: {  	s3 =	sld [smem:$0x3FFE];
	_ =	sdelay $0x1  }
0x8a: {  	s1 =	srdreg.scid  }
0x8b: {  	s0 =	sand.u32 $0x1, s1  }
0x8c: {  	s18 =	sshll.u32 s0, $0xA;
	s2 =	sadd.s32 s3, s2  }
0x8d: {  	s2 =	sadd.s32 s2, s18  }
0x8e: {  	[smem:$0x3FC5] =	sst s2  }
0x8f: {  	_ = 	snop  }
0x90: {  	s2 =	sld [smem:$0x3FC9]  }
0x91: {  	s19 =	sld [smem:$0x3FC8]  }
0x92: {  	s4 =	sld [smem:$0x3FC7]  }
0x93: {  	s5 =	sld [smem:$0x3FD0];
	(tm) =	ssettm $0x1  }
0x94: {  	s6 =	sld [smem:$0x3FFB];
	_ =	sdelay $0x3  }
0x95: {  	_ =	strace s6  }
0x96: {  	s6 =	sld [smem:$0x3FFC];
	_ =	sdelay $0x3  }
0x97: {  	_ =	strace s6  }
0x98: {  	s6 =	sld [smem:$0x3FFD];
	_ =	sdelay $0x3  }
0x99: {  	_ =	strace s6  }
0x9a: {  	_ =	strace $0x8FFFFFFF  }
0x9b: {  	s20 =	sld [smem:$0x3FDB];
	_ =	sdelay $0x1  }
0x9c: {  	s7 =	simm.s32 $_scs_section_size  }
0x9d: {  	s8 =	simm.s32 $_size__tile_overlayer_lowered;
	s9 =	simm.s32 $_tile_overlayer_lowered  }
0x9e: {  	s23 =	simm.s32 $0x1BFF;
	s22 =	sshll.u32 s9, $0x1;
	s6 =	sadd.s32 s7, s20  }
0x9f: {  	s10 =	simm.s32 $0x0;
	s21 =	sshll.u32 s8, $0x1;
	s8 =	sadd.s32 s22, s6  }
0xa0: {  	[timem:s10], [sflag:s23] =	dma.local [hbm:s8], s21  }
0xa1: {  	_ =	swait.ge [sflag:s23], s21  }
0xa2: {  	s7 =	ssub.s32 $0x0, s21;
	[sflag:s23] =	ssyncset.done $0x0  }
0xa3: {  	[sflag:s23] =	ssyncadd.s32 s7;
	_ =	sdelay $0x1  }
0xa4: {  	s24 =	simm.s32 $0x1B8B  }
0xa5: {  	_ =	swait.ge [sflag:s24], $0x1  }
0xa6: {  	[sflag:s24] =	ssyncset.done $0x0  }
0xa7: {  	s25 =	simm.s32 $0x1B8E;
	[sflag:s24] =	ssyncadd.s32 $0xFFFFFFFF  }
0xa8: {  	s26 =	simm.s32 $execute0_lowered;
	[smem:$0x3FD2] =	sst s25  }
0xa9: {  	s7 =	sshll.u32 s26, $0x1;
	_ =	strace $0x80000046;
	[dreg:$0x1] =	wrdreg $0xFFFFFFFF  }
0xaa: {  	s28 =	simm.s32 $_size_execute0_lowered;
	s6 =	sadd.s32 s6, s7;
	[dreg:$0x0] =	wrdreg $0x0  }
0xab: {  	s7 =	sshll.u32 s28, $0x1;
	[dreg:$0x2] =	wrdreg s6  }
0xac: {  	[dreg:$0x3] =	wrdreg s7  }
0xad: {  	[dreg:$0x4] =	wrdreg $0xC0  }
0xae: {  	_ =	task [dreg:s10], $0x5FFFF  }
0xaf: {  	[dreg:$0x1] =	wrdreg $0xFFFFFFFF  }
0xb0: {  	[dreg:$0x0] =	wrdreg $0x60  }
0xb1: {  	[dreg:$0x2] =	wrdreg s2  }
0xb2: {  	[dreg:$0x3] =	wrdreg s19  }
0xb3: {  	[dreg:$0x4] =	wrdreg s4  }
0xb4: {  	[dreg:$0x5] =	wrdreg s5  }
0xb5: {  	[dreg:$0x6] =	wrdreg $0x9  }
0xb6: {  	_ =	task.clear_ibuf [dreg:s10], $0x7FFFF;
	_ =	strace $0x90000046  }
0xb7: {  	s29 =	simm.s32 $0x9;
	_ =	strace $0x80000048  }
0xb8: {  	_ =	swait.ge [sflag:s29], $0x1  }
0xb9: {  	[sflag:s29] =	ssyncadd.s32 $0xFFFFFFFF  }
0xba: {  	_ =	strace $0x90000048  }
0xbb: {  	_ =	sfence  }
0xbc: {  	s30 =	sld [smem:$0x0];
	_ =	sdelay $0x2  }
0xbd: {  	s31 =	sshll.u32 s1, $0xD;
	s1 =	sshrl.u32 s1, $0x2  }
0xbe: {  	s3 =	sand.u32 $0x4000, s31;
	s1 =	sadd.s32 s1, s30  }
0xbf: {  	s0 =	sor.u32 s3, s0;
	s1 =	sshll.u32 s1, $0x11  }
0xc0: {  	s0 =	sor.u32 s1, s0  }
0xc1: {  	s0 =	sadd.s32 $0x8F2B, s0  }
0xc2: {  	[sflag:s0] =	ssyncadd.remote.s32 $0x1  }
0xc3: {  	_ =	sfence.sel $0xFFFF  }
0xc4: {  	[dreg:$0x0] =	wrdreg $0xFFFFFFFF;
	(pc) =	sbr.abs _section_cstart, $3  }
0xc5: {  	[dreg:$0x1] =	wrdreg $0xFFFFFFFF  }
0xc6: {  	_ =	task.clear_ibuf [dreg:s10], $0x2FFFF;
	_ =	strace $0x9FFFFFFF  }
0xc7: {  	(tm) =	ssettm $0x7FFFFFFF  }
tec
execute0_lowered:
.L_overlay_start_1:
0x0: {  	(tag) =	ssettag $0x1  }
0x1: {  	s1 =	rddreg [dreg:$0x0]  }
0x2: {  	s0 =	srdreg.scid;
	s2 =	rddreg [dreg:$0x1]  }
0x3: {  	s11 =	stileid.u32;
	s3 =	rddreg [dreg:$0x2]  }
0x4: {  	s5 =	simm.s32 $0x0;
	s7 =	simm.s32 $0x1;
	s20 =	simm.s32 $0x4  }
0x5: {  	s23 =	simm.s32 $0x14A00;
	s24 =	simm.s32 $0x15200;
	s25 =	simm.s32 $0x15A00  }
0x6: {  	s26 =	simm.s32 $0x2;
	s28 =	simm.s32 $0x3;
	s0 =	sand.u32 $0x1, s0  }
0x7: {  	s29 =	simm.s32 $0x0;
	s17 =	sand.u32 $0x7, s11;
	s4 =	sshll.u32 s0, $0x4  }
0x8: {  	[smem:$0x7FF] =	sst s5;
	s12 =	sadd.s32 $0x100, s3;
	s6 =	sor.u32 s11, s4  }
0x9: {  	s13 =	sadd.s32 $0x200, s3;
	p1 =	sne.s32 s17, $0x0;
	p0 =	seq.s32 s6, $0x0  }
0xa: {  	s0 =	ssub.s32 $0x2, s0;
	s4 =	rddreg [dreg:$0x3];
	p0 =	por !p1, !p0  }
0xb: {  	_ =	strace $0x80000047;
	s31 =	sshrl.u32 s0, $0x1;
	p0 =	por !p0, !p0  }
0xc: {  	s11 =	sshll.u32 s11, $0x9;
	s8 =	sshrl.u32 s6, $0x3;
	s7 =	simm.s32 @!p0 $0x0  }
0xd: {  	s10 =	smul.u32 $0xC000, s6;
	s0 =	ssub.s32 s0, s31;
	s7 =	ssub.s32 s8, s7  }
0xe: {  	s6 =	sshll.u32 s6, $0x9;
	s9 =	sshll.u32 s7, $0xC;
	s7 =	sshll.u32 s7, $0x7  }
0xf: {  	s16 =	smax.u32 s0, $0x1;
	s9 =	sand.u32 $0xFFFFC000, s9;
	s7 =	sand.u32 $0x180, s7  }
0x10: {  	v3 =	vlaneseq.u32;
	p0 =	seq.s32 s17, $0x0;
	s8 =	simm.s32 $0x1;
	s9 =	sor.u32 s7, s9  }
0x11: {  	v0 =	vimm.s32 $0x0;
	vm0 =	vmmov $0xffff;
	v2 =	vshrl.u32 v3, $0x3;
	s7 =	sadd.s32 s1, s10;
	s10 =	sshll.u32 s17, $0x5;
	s9 =	sshrl.u32 s9, $0x3  }
0x12: {  	v1 =	vand.u32 $0x7, v3;
	v3 =	vor.u32 $0x8, v3;
	v2 =	vmul.u32 $0x8, v2;
	s14 =	sadd.s32 $0x600, s7;
	s15 =	sadd.s32 $0xC00, s7;
	s9 =	sadd.s32 s2, s9  }
.LBB2_1:
0x13: {  	s0 =	simm.s32 $0x1200  }
0x14: {  	[tilespmem:s0], [sflag:$0x1] =	stream.linear.gather [hbm4b:s7+s5], $0x3000, $0x38;
	[tilespmem:$0x19200] =	vst v63  }
.Ltmp0:
0x15: {  	s31 =	simm.s32 $0x80;
	s2 =	simm.s32 $0x200;
	(pc) =	sbr.rel @p0 .LBB2_5-.Ltmp0, $4  }
0x16: {  	[tilespmem:s5], [sflag:$0x4] =	stream.strided.gather [hbm4b:s9+s31], $0x1000, s2, s31, $0x38;
	[tilespmem:$0x19200] =	vst v63  }
0x17: {  	_ =	swait.ge [sflag:s20], $0x1000  }
0x18: {  	v4 =	vimm.s32 $0x0;
	[sflag:s20] =	ssyncset.done $0x0  }
0x19: {  	v6 =	vimm.s32 $0x0;
	v7 =	vimm.s32 $0x0;
	v5 =	vimm.s32 $0x0;
	[sflag:s20] =	ssyncadd.s32 $0xFFFFF000  }
0x1a: {  	v4 =	vld [tilespmem:s5+$0x0];
	p1 =	sne.s32 s10, $0x1  }
.Ltmp1:
0x1b: {  	_ = 	snop;
	(pc) =	sbr.rel @!p1 .LBB2_4-.Ltmp1, $4  }
0x1c: {  	_ = 	snop  }
0x1d: {  	v5 =	vimm.s32 $0x0  }
0x1e: {  	v6 =	vimm.s32 $0x0;
	v7 =	vimm.s32 $0x0;
	v8 =	vimm.s32 $0x0  }
0x1f: {  	s0 =	sadd.s32 $0xFFFFFFFF, s10;
	s2 =	sadd.s32 $0x10, s5;
	vm2 =	veq.s32 v4, $0x0;
	vm1 =	veq.s32 v4, $0x1;
	vm3 =	veq.s32 v4, $0x3  }
.LBB2_3:
0x20: {  	p1 =	sne.s32 s0, $0x1;
	s0 =	sadd.s32 $0xFFFFFFFF, s0;
	v9 =	vsel vm2, $0x1, v0;
	vm2 =	veq.s32 v4, $0x2;
	v4 =	vld [tilespmem:s2+$0x0];
	v10 =	vsel vm3, $0x1, v0  }
.Ltmp2:
0x21: {  	v11 =	vsel vm1, $0x1, v0;
	v12 =	vsel vm2, $0x1, v0;
	v5 =	vadd.s32 v10, v5;
	(pc) =	sbr.rel @p1 .LBB2_3-.Ltmp2, $2  }
0x22: {  	v6 =	vadd.s32 v9, v6;
	v7 =	vadd.s32 v11, v7;
	v8 =	vadd.s32 v12, v8;
	_ =	sdelay $0x2  }
0x23: {  	s2 =	sadd.s32 $0x10, s2;
	vm2 =	veq.s32 v4, $0x0;
	vm1 =	veq.s32 v4, $0x1;
	vm3 =	veq.s32 v4, $0x3  }
.LBB2_4:
0x24: {  	v9 =	vsel vm2, $0x1, v0;
	vm2 =	veq.s32 v4, $0x2;
	v4 =	vsel vm3, $0x1, v0  }
0x25: {  	v10 =	vsel vm1, $0x1, v0;
	v11 =	vsel vm2, $0x1, v0;
	v5 =	vadd.s32 v4, v5  }
0x26: {  	v4 =	vadd.s32 v9, v6;
	v6 =	vadd.s32 v10, v7;
	v7 =	vadd.s32 v11, v8  }
.LBB2_5:
0x27: {  	(xrf0) =	vadd.scan.msk.s32 $0xffff, v4;
	_ =	sdelay $0x1  }
0x28: {  	(xrf0) =	vadd.scan.msk.s32 $0xffff, v6  }
0x29: {  	(xrf0) =	vadd.scan.msk.s32 $0xffff, v7  }
0x2a: {  	(xrf0) =	vadd.scan.msk.s32 $0xffff, v5;
	_ =	sdelay $0x1  }
0x2b: {  	v4, _, _ =	vpop (xrf0)  }
0x2c: {  	(v2sf) =	vpush v4, $0xF  }
0x2d: {  	v4, _, _ =	vpop (xrf0)  }
0x2e: {  	s0 =	simm.s32 $0x0;
	s2 =	sadd.s32 $0x0, s11;
	(v2sf) =	vpush v4, $0xF;
	v4, _, _ =	vpop (xrf0)  }
0x2f: {  	s2 =	sand.u32 $0xF80, s2;
	s0 =	sand.u32 $0x70, s0;
	(v2sf) =	vpush v4, $0xF;
	v4, _, _ =	vpop (xrf0)  }
0x30: {  	s0 =	sor.u32 s0, s2;
	(v2sf) =	vpush v4, $0xF  }
0x31: {  	v4 =	vld [tilespmem:s0+$0x0];
	_ =	sdelay $0x4  }
0x32: {  	vm4 =	veq.s32 v4, $0x0  }
0x33: {  	v5 =	vsel vm4, $0x1, v0  }
0x34: {  	(xrf0) =	vadd.scan.msk.s32 $0xffff, v5  }
0x35: {  	vm3 =	veq.s32 v4, $0x1  }
0x36: {  	v5 =	vsel vm3, $0x1, v0  }
0x37: {  	vm2 =	veq.s32 v4, $0x2;
	(xrf0) =	vadd.scan.msk.s32 $0xffff, v5;
	s0 =	spop (v2sf)  }
0x38: {  	vm1 =	veq.s32 v4, $0x3;
	v6 =	vsel vm2, $0x1, v0;
	v7 =	vmov s0  }
0x39: {  	v5 =	vsel vm1, $0x1, v0;
	(xrf0) =	vadd.scan.msk.s32 $0xffff, v6;
	s2 =	spop (v2sf);
	v6 =	vadd.s32 $0xFFFFFFFF, v7  }
0x3a: {  	v4 =	vshll.u32 v4, $0xC;
	(xrf0) =	vadd.scan.msk.s32 $0xffff, v5;
	v8, _, _ =	vpop (xrf0);
	s17 =	spop (v2sf);
	v5 =	vmov s2;
	v6 =	vbroadcast v6, $0x0  }
0x3b: {  	v7 =	vmov s17;
	s18 =	spop (v2sf);
	v5 =	vadd.s32 $0xFFFFFFFF, v5;
	(v2sf) =	vpush v8, $0xF  }
0x3c: {  	v9 =	vmov s18;
	v5 =	vbroadcast v5, $0x0;
	v6 =	vadd.s32 v8, v6  }
0x3d: {  	v7 =	vadd.s32 $0xFFFFFFFF, v7;
	v9 =	vadd.s32 $0xFFFFFFFF, v9;
	v8, _, _ =	vpop (xrf0);
	v6 =	vnsel vm4, $0x0, v6  }
0x3e: {  	v7 =	vbroadcast v7, $0x0;
	v9 =	vbroadcast v9, $0x0;
	v5 =	vadd.s32 v8, v5  }
0x3f: {  	v10, _, _ =	vpop (xrf0);
	(v2sf) =	vpush v8, $0xF;
	v4 =	vadd.s32 v4, v6;
	v5 =	vnsel vm3, $0x0, v5  }
0x40: {  	v7 =	vadd.s32 v10, v7;
	(v2sf) =	vpush v10, $0xF;
	v4 =	vadd.s32 v5, v4;
	v6, _, _ =	vpop (xrf0)  }
0x41: {  	v5 =	vnsel vm2, $0x0, v7;
	v7 =	vadd.s32 v6, v9;
	(v2sf) =	vpush v6, $0xF  }
0x42: {  	s19 =	simm.s32 $0x10;
	s21 =	sadd.s32 $0x10, s11;
	v4 =	vadd.s32 v5, v4;
	v5 =	vnsel vm1, $0x0, v7  }
0x43: {  	s30 =	simm.s32 $0x1000;
	s21 =	sand.u32 $0xF80, s21;
	s19 =	sand.u32 $0x70, s19;
	v4 =	vadd.s32 v5, v4  }
0x44: {  	s19 =	sor.u32 s19, s21;
	[tilespmem:s30+$0x0] =	vst v4  }
0x45: {  	v4 =	vld [tilespmem:s19+$0x0];
	_ =	sdelay $0x4  }
0x46: {  	vm4 =	veq.s32 v4, $0x0;
	vm3 =	veq.s32 v4, $0x1  }
0x47: {  	vm2 =	veq.s32 v4, $0x2;
	vm1 =	veq.s32 v4, $0x3;
	v8 =	vsel vm4, $0x1, v0  }
0x48: {  	s30 =	simm.s32 $0x1010;
	s19 =	simm.s32 $0x20;
	s21 =	spop (v2sf);
	v7 =	vsel vm3, $0x1, v0;
	v6 =	vsel vm2, $0x1, v0;
	v5 =	vsel vm1, $0x1, v0;
	(xrf0) =	vadd.scan.msk.s32 $0xffff, v8  }
.LBB2_6:
0x49: {  	s0 =	sadd.s32 s0, s21  }
0x4a: {  	(xrf0) =	vadd.scan.msk.s32 $0xffff, v7;
	s21 =	spop (v2sf);
	s22 =	smov.u32 s19;
	s31 =	sadd.s32 $0x10, s19  }
0x4b: {  	p1 =	sne.s32 s19, $0x1F0;
	v7 =	vmov s0;
	(xrf0) =	vadd.scan.msk.s32 $0xffff, v6;
	s2 =	sadd.s32 s2, s21;
	s19 =	spop (v2sf)  }
0x4c: {  	v6 =	vadd.s32 $0xFFFFFFFF, v7;
	v7 =	vmov s2;
	(xrf0) =	vadd.scan.msk.s32 $0xffff, v5;
	s17 =	sadd.s32 s17, s19;
	s19 =	spop (v2sf)  }
0x4d: {  	v4 =	vshll.u32 v4, $0xC;
	v5 =	vadd.s32 $0xFFFFFFFF, v7;
	v7 =	vmov s17;
	s18 =	sadd.s32 s18, s19  }
0x4e: {  	v6 =	vbroadcast v6, $0x0;
	v7 =	vadd.s32 $0xFFFFFFFF, v7;
	v8 =	vmov s18  }
0x4f: {  	v5 =	vbroadcast v5, $0x0;
	v7 =	vbroadcast v7, $0x0;
	v8 =	vadd.s32 $0xFFFFFFFF, v8;
	v9, _, _ =	vpop (xrf0)  }
0x50: {  	v11 =	vadd.s32 v9, v6;
	v8 =	vbroadcast v8, $0x0;
	(v2sf) =	vpush v9, $0xF;
	v9, _, _ =	vpop (xrf0)  }
0x51: {  	v10 =	vnsel vm4, $0x0, v11;
	v5 =	vadd.s32 v9, v5;
	(v2sf) =	vpush v9, $0xF;
	v9, _, _ =	vpop (xrf0)  }
0x52: {  	v4 =	vadd.s32 v4, v10;
	v5 =	vnsel vm3, $0x0, v5;
	(v2sf) =	vpush v9, $0xF;
	v6, _, _ =	vpop (xrf0)  }
0x53: {  	v4 =	vadd.s32 v5, v4;
	v5 =	vadd.s32 v9, v7;
	(v2sf) =	vpush v6, $0xF  }
0x54: {  	v6 =	vadd.s32 v6, v8;
	v5 =	vnsel vm2, $0x0, v5  }
0x55: {  	s19 =	sadd.s32 s22, s11;
	v4 =	vadd.s32 v5, v4;
	v5 =	vnsel vm1, $0x0, v6  }
0x56: {  	s21 =	sand.u32 $0x70, s22;
	s19 =	sand.u32 $0xF80, s19;
	v4 =	vadd.s32 v5, v4  }
0x57: {  	s19 =	sor.u32 s21, s19;
	[tilespmem:s30+$0x0] =	vst v4  }
0x58: {  	v4 =	vld [tilespmem:s19+$0x0];
	_ =	sdelay $0x2  }
.Ltmp3:
0x59: {  	(pc) =	sbr.rel @p1 .LBB2_6-.Ltmp3, $4  }
0x5a: {  	_ = 	snop  }
0x5b: {  	vm4 =	veq.s32 v4, $0x0;
	vm3 =	veq.s32 v4, $0x1;
	vm2 =	veq.s32 v4, $0x2  }
0x5c: {  	vm1 =	veq.s32 v4, $0x3;
	v8 =	vsel vm4, $0x1, v0;
	v7 =	vsel vm3, $0x1, v0  }
0x5d: {  	s30 =	sadd.s32 $0x10, s30;
	s19 =	smov.u32 s31;
	v6 =	vsel vm2, $0x1, v0;
	v5 =	vsel vm1, $0x1, v0;
	(xrf0) =	vadd.scan.msk.s32 $0xffff, v8;
	s21 =	spop (v2sf)  }
0x5e: {  	(xrf0) =	vadd.scan.msk.s32 $0xffff, v7  }
0x5f: {  	s19 =	spop (v2sf);
	s0 =	sadd.s32 s0, s21;
	(xrf0) =	vadd.scan.msk.s32 $0xffff, v6  }
0x60: {  	s22 =	spop (v2sf);
	v60 =	vmov s0;
	s19 =	sadd.s32 s2, s19;
	(xrf0) =	vadd.scan.msk.s32 $0xffff, v5  }
0x61: {  	v4 =	vshll.u32 v4, $0xC;
	s22 =	sadd.s32 s17, s22;
	v5 =	vmov s19;
	v6 =	vadd.s32 $0xFFFFFFFF, v60;
	s17 =	spop (v2sf)  }
0x62: {  	v61 =	vmov s22;
	s0 =	sadd.s32 s18, s17;
	v5 =	vadd.s32 $0xFFFFFFFF, v5;
	v6 =	vbroadcast v6, $0x0  }
0x63: {  	v7 =	vadd.s32 $0xFFFFFFFF, v61;
	v8 =	vmov s0;
	v5 =	vbroadcast v5, $0x0;
	v9, _, _ =	vpop (xrf0)  }
0x64: {  	v7 =	vbroadcast v7, $0x0;
	v8 =	vadd.s32 $0xFFFFFFFF, v8;
	v6 =	vadd.s32 v9, v6;
	v10, _, _ =	vpop (xrf0)  }
0x65: {  	v8 =	vbroadcast v8, $0x0;
	v6 =	vnsel vm4, $0x0, v6;
	v5 =	vadd.s32 v10, v5;
	v11, _, _ =	vpop (xrf0)  }
0x66: {  	v4 =	vadd.s32 v4, v6;
	v5 =	vnsel vm3, $0x0, v5;
	v62, _, _ =	vpop (xrf0);
	v7 =	vadd.s32 v11, v7  }
0x67: {  	v4 =	vadd.s32 v5, v4;
	v5 =	vnsel vm2, $0x0, v7;
	v63 =	vadd.s32 v62, v8  }
0x68: {  	v4 =	vadd.s32 v5, v4;
	v5 =	vnsel vm1, $0x0, v63  }
0x69: {  	v4 =	vadd.s32 v5, v4  }
0x6a: {  	[tilespmem:s30+$0x0] =	vst v4  }
0x6b: {  	v4 =	vld [tilespmem:$0x1000];
	_ =	sdelay $0x4  }
0x6c: {  	v5 =	vshrl.u32 v4, $0x3  }
0x6d: {  	v5 =	vmul.u32 $0x30, v5  }
0x6e: {  	v4 =	vand.u32 $0x7, v4  }
0x6f: {  	v4 =	vor.u32 v4, v5  }
0x70: {  	v5 =	vperm.xlane v4, v1;
	_ =	sdelay $0x1  }
0x71: {  	v5 =	vadd.s32 v2, v5;
	_ =	sdelay $0x3  }
0x72: {  	s19 =	simm.s32 $0xD200;
	s30 =	simm.s32 $0x0;
	v4 =	vperm.xlane v4, v3  }
0x73: {  	[tilespmem:s19], [sflag:$0x2] =	stream.indirect_vreg.gather [hbm4b:s3+s30], $0x80, v5, vm0, $0xb8;
	[tilespmem:$0x19200] =	vst v63  }
0x74: {  	s21 =	simm.s32 $0xDA00;
	v4 =	vadd.s32 v2, v4  }
0x75: {  	[tilespmem:s21], [sflag:$0x2] =	stream.indirect_vreg.gather [hbm4b:s12+s30], $0x80, v5, vm0, $0xb8;
	[tilespmem:$0x19200] =	vst v63  }
0x76: {  	s22 =	simm.s32 $0xE200  }
0x77: {  	[tilespmem:s22], [sflag:$0x2] =	stream.indirect_vreg.gather [hbm4b:s13+s30], $0x80, v5, vm0, $0xb8;
	[tilespmem:$0x19200] =	vst v63  }
0x78: {  	s2 =	simm.s32 $0xEA00  }
0x79: {  	[tilespmem:s2], [sflag:$0x2] =	stream.indirect_vreg.gather [hbm4b:s3+s30], $0x80, v4, vm0, $0xb8;
	[tilespmem:$0x19200] =	vst v63  }
0x7a: {  	s17 =	simm.s32 $0xF200  }
0x7b: {  	[tilespmem:s17], [sflag:$0x2] =	stream.indirect_vreg.gather [hbm4b:s12+s30], $0x80, v4, vm0, $0xb8;
	[tilespmem:$0x19200] =	vst v63  }
0x7c: {  	s18 =	simm.s32 $0xFA00  }
0x7d: {  	[tilespmem:s18], [sflag:$0x2] =	stream.indirect_vreg.gather [hbm4b:s13+s30], $0x80, v4, vm0, $0xb8;
	[tilespmem:$0x19200] =	vst v63  }
0x7e: {  	s19 =	simm.s32 $0x4200  }
0x7f: {  	[tilespmem:s19], [sflag:$0x1] =	stream.linear.gather [hbm4b:s14+s30], $0x3000, $0x38;
	[tilespmem:$0x19200] =	vst v63  }
0x80: {  	v4 =	vld [tilespmem:$0x1010];
	_ =	sdelay $0x4  }
0x81: {  	v5 =	vshrl.u32 v4, $0x3  }
0x82: {  	v5 =	vmul.u32 $0x30, v5  }
0x83: {  	v4 =	vand.u32 $0x7, v4  }
0x84: {  	v4 =	vor.u32 v4, v5  }
0x85: {  	v5 =	vperm.xlane v4, v1;
	_ =	sdelay $0x1  }
0x86: {  	v5 =	vadd.s32 v2, v5;
	_ =	sdelay $0x3  }
0x87: {  	s21 =	simm.s32 $0x10200;
	v4 =	vperm.xlane v4, v3  }
0x88: {  	[tilespmem:s21], [sflag:$0x2] =	stream.indirect_vreg.gather [hbm4b:s3+s30], $0x80, v5, vm0, $0xb8;
	[tilespmem:$0x19200] =	vst v63  }
0x89: {  	s22 =	simm.s32 $0x10A00;
	v4 =	vadd.s32 v2, v4  }
0x8a: {  	[tilespmem:s22], [sflag:$0x2] =	stream.indirect_vreg.gather [hbm4b:s12+s30], $0x80, v5, vm0, $0xb8;
	[tilespmem:$0x19200] =	vst v63  }
0x8b: {  	s2 =	simm.s32 $0x11200  }
0x8c: {  	[tilespmem:s2], [sflag:$0x2] =	stream.indirect_vreg.gather [hbm4b:s13+s30], $0x80, v5, vm0, $0xb8;
	[tilespmem:$0x19200] =	vst v63  }
0x8d: {  	s17 =	simm.s32 $0x11A00  }
0x8e: {  	[tilespmem:s17], [sflag:$0x2] =	stream.indirect_vreg.gather [hbm4b:s3+s30], $0x80, v4, vm0, $0xb8;
	[tilespmem:$0x19200] =	vst v63  }
0x8f: {  	s18 =	simm.s32 $0x12200  }
0x90: {  	[tilespmem:s18], [sflag:$0x2] =	stream.indirect_vreg.gather [hbm4b:s12+s30], $0x80, v4, vm0, $0xb8;
	[tilespmem:$0x19200] =	vst v63  }
0x91: {  	s19 =	simm.s32 $0x12A00  }
0x92: {  	[tilespmem:s19], [sflag:$0x2] =	stream.indirect_vreg.gather [hbm4b:s13+s30], $0x80, v4, vm0, $0xb8;
	[tilespmem:$0x19200] =	vst v63  }
0x93: {  	s21 =	simm.s32 $0x7200  }
0x94: {  	[tilespmem:s21], [sflag:$0x1] =	stream.linear.gather [hbm4b:s15+s30], $0x3000, $0x38;
	[tilespmem:$0x19200] =	vst v63  }
0x95: {  	v4 =	vld [tilespmem:$0x1020];
	_ =	sdelay $0x3  }
0x96: {  	(v2sf) =	vpush v9, $0xF  }
0x97: {  	v5 =	vshrl.u32 v4, $0x3  }
0x98: {  	(v2sf) =	vpush v10, $0xF;
	v5 =	vmul.u32 $0x30, v5  }
0x99: {  	v4 =	vand.u32 $0x7, v4  }
0x9a: {  	(v2sf) =	vpush v11, $0xF;
	v4 =	vor.u32 v4, v5  }
0x9b: {  	v5 =	vperm.xlane v4, v1  }
0x9c: {  	(v2sf) =	vpush v62, $0xF  }
0x9d: {  	v5 =	vadd.s32 v2, v5;
	_ =	sdelay $0x3  }
0x9e: {  	s22 =	simm.s32 $0x13200;
	v4 =	vperm.xlane v4, v3  }
0x9f: {  	[tilespmem:s22], [sflag:$0x2] =	stream.indirect_vreg.gather [hbm4b:s3+s30], $0x80, v5, vm0, $0xb8;
	[tilespmem:$0x19200] =	vst v63  }
0xa0: {  	s2 =	simm.s32 $0x13A00;
	v4 =	vadd.s32 v2, v4  }
0xa1: {  	[tilespmem:s2], [sflag:$0x2] =	stream.indirect_vreg.gather [hbm4b:s12+s30], $0x80, v5, vm0, $0xb8;
	[tilespmem:$0x19200] =	vst v63  }
0xa2: {  	s17 =	simm.s32 $0x14200;
	s18 =	spop (v2sf)  }
0xa3: {  	[tilespmem:s17], [sflag:$0x2] =	stream.indirect_vreg.gather [hbm4b:s13+s30], $0x80, v5, vm0, $0xb8;
	[tilespmem:$0x19200] =	vst v63  }
0xa4: {  	s19 =	spop (v2sf)  }
0xa5: {  	[tilespmem:s23], [sflag:$0x2] =	stream.indirect_vreg.gather [hbm4b:s3+s30], $0x80, v4, vm0, $0xb8;
	[tilespmem:$0x19200] =	vst v63  }
0xa6: {  	s21 =	spop (v2sf)  }
0xa7: {  	[tilespmem:s24], [sflag:$0x2] =	stream.indirect_vreg.gather [hbm4b:s12+s30], $0x80, v4, vm0, $0xb8;
	[tilespmem:$0x19200] =	vst v63  }
0xa8: {  	s31 =	simm.s32 $0x0;
	s22 =	spop (v2sf)  }
0xa9: {  	[tilespmem:s25], [sflag:$0x2] =	stream.indirect_vreg.gather [hbm4b:s13+s30], $0x80, v4, vm0, $0xb8;
	[tilespmem:$0x19200] =	vst v63  }
.LBB2_8:
0xaa: {  	p1 =	sgt.u32 s31, $0x1C;
	s0 =	sadd.s32 $0x3, s31  }
0xab: {  	p2 =	seq.s32 @!p1 s31, $0x0;
	s2 =	sshll.u32 @!p1 s0, $0x4  }
0xac: {  	s0 =	sand.u32 $0x3, s0;
	p2 =	por p2, p1;
	s18 =	sadd.s32 @!p1 s6, s2  }
0xad: {  	s0 =	smul.u32 @!p1 $0x3000, s0;
	s17 =	simm.s32 @!p2 $0x3;
	s18 =	sshrl.u32 @!p1 s18, $0x3  }
0xae: {  	_ =	swait.ge @!p2 [sflag:s17], $0x3000;
	s18 =	smul.u32 @!p1 $0x300, s18  }
0xaf: {  	s19 =	simm.s32 @!p1 $0x0;
	[sflag:s17] =	ssyncset.done @!p2 $0x0  }
0xb0: {  	[sflag:s17] =	ssyncadd.s32 @!p2 $0xFFFFD000;
	s17 =	sadd.s32 @!p1 $0x1200, s0;
	s18 =	sadd.s32 @!p1 s1, s18  }
0xb1: {  	[tilespmem:s17], [sflag:$0x1] =	stream.linear.gather @!p1 [hbm4b:s18+s19], $0x3000, $0x38;
	[tilespmem:$0x19200] =	vst v63  }
0xb2: {  	v4 =	vld @!p1 [tilespmem:s2+$0x1000];
	_ =	sdelay $0x4  }
0xb3: {  	v5 =	vshrl.u32 @!p1 v4, $0x3  }
0xb4: {  	v5 =	vmul.u32 @!p1 $0x30, v5  }
0xb5: {  	v6 =	vlaneseq.u32 @!p1;
	v4 =	vand.u32 @!p1 $0x7, v4  }
0xb6: {  	v7 =	vshrl.u32 @!p1 v6, $0x3;
	v4 =	vor.u32 @!p1 v4, v5;
	v5 =	vand.u32 @!p1 $0x7, v6  }
0xb7: {  	v7 =	vmul.u32 @!p1 $0x8, v7;
	v5 =	vperm.xlane @!p1 v4, v5;
	_ =	sdelay $0x1  }
0xb8: {  	v5 =	vadd.s32 @!p1 v7, v5;
	_ =	sdelay $0x2  }
0xb9: {  	v6 =	vor.u32 @!p1 $0x8, v6  }
0xba: {  	vm1 =	vmmov @!p1 $0xffff;
	s2 =	sadd.s32 @!p1 $0xD200, s0;
	v4 =	vperm.xlane @!p1 v4, v6  }
0xbb: {  	[tilespmem:s2], [sflag:$0x2] =	stream.indirect_vreg.gather @!p1 [hbm4b:s3+s19], $0x80, v5, vm1, $0xb8;
	[tilespmem:$0x19200] =	vst v63  }
0xbc: {  	v4 =	vadd.s32 @!p1 v7, v4;
	s2 =	sadd.s32 @!p1 $0xDA00, s0  }
0xbd: {  	[tilespmem:s2], [sflag:$0x2] =	stream.indirect_vreg.gather @!p1 [hbm4b:s12+s19], $0x80, v5, vm1, $0xb8;
	[tilespmem:$0x19200] =	vst v63  }
0xbe: {  	s2 =	sadd.s32 @!p1 $0xE200, s0  }
0xbf: {  	[tilespmem:s2], [sflag:$0x2] =	stream.indirect_vreg.gather @!p1 [hbm4b:s13+s19], $0x80, v5, vm1, $0xb8;
	[tilespmem:$0x19200] =	vst v63  }
0xc0: {  	s2 =	sadd.s32 @!p1 $0xEA00, s0  }
0xc1: {  	[tilespmem:s2], [sflag:$0x2] =	stream.indirect_vreg.gather @!p1 [hbm4b:s3+s19], $0x80, v4, vm1, $0xb8;
	[tilespmem:$0x19200] =	vst v63  }
0xc2: {  	s2 =	sadd.s32 @!p1 $0xF200, s0  }
0xc3: {  	[tilespmem:s2], [sflag:$0x2] =	stream.indirect_vreg.gather @!p1 [hbm4b:s12+s19], $0x80, v4, vm1, $0xb8;
	[tilespmem:$0x19200] =	vst v63  }
0xc4: {  	s0 =	sadd.s32 @!p1 $0xFA00, s0  }
0xc5: {  	[tilespmem:s0], [sflag:$0x2] =	stream.indirect_vreg.gather @!p1 [hbm4b:s13+s19], $0x80, v4, vm1, $0xb8;
	[tilespmem:$0x19200] =	vst v63  }
0xc6: {  	s18 =	sand.u32 $0x3, s31;
	_ =	swait.ge [sflag:s8], $0x3000  }
0xc7: {  	s2 =	smul.u32 $0x3000, s18;
	s19 =	simm.s32 $0x0;
	[sflag:s8] =	ssyncset.done $0x0  }
0xc8: {  	s0 =	smul.u32 $0x1800, s19;
	[sflag:s8] =	ssyncadd.s32 $0xFFFFD000  }
0xc9: {  	_ =	swait.ge [sflag:s26], $0x3000  }
0xca: {  	s21 =	sand.u32 $0x380, s30;
	s0 =	sadd.s32 s2, s0;
	[sflag:s26] =	ssyncset.done $0x0  }
0xcb: {  	s22 =	sor.u32 s21, s0;
	[sflag:s26] =	ssyncadd.s32 $0xFFFFD000  }
0xcc: {  	v4 =	vld [tilespmem:s22+$0xD670]  }
0xcd: {  	v5 =	vld [tilespmem:s22+$0xD640]  }
0xce: {  	v6 =	vld [tilespmem:s22+$0xD660]  }
0xcf: {  	v7 =	vld [tilespmem:s22+$0xD650]  }
0xd0: {  	v8 =	vld [tilespmem:s22+$0xD620]  }
0xd1: {  	v9 =	vld [tilespmem:s22+$0xD630]  }
0xd2: {  	v51 =	vld [tilespmem:s22+$0xD210]  }
0xd3: {  	v52 =	vld [tilespmem:s22+$0xD270]  }
0xd4: {  	v10 =	vld [tilespmem:s22+$0xD220]  }
0xd5: {  	[tilespmem:s22+$0x1670] =	vst.add.f32.msk $0xffff, v4  }
0xd6: {  	[tilespmem:s22+$0x1640] =	vst.add.f32.msk $0xffff, v5  }
0xd7: {  	v4 =	vld [tilespmem:s22+$0xD610]  }
0xd8: {  	[tilespmem:s22+$0x1660] =	vst.add.f32.msk $0xffff, v6  }
0xd9: {  	v5 =	vld [tilespmem:s22+$0xD600]  }
0xda: {  	v6 =	vld [tilespmem:s22+$0xD250]  }
0xdb: {  	[tilespmem:s22+$0x1650] =	vst.add.f32.msk $0xffff, v7  }
0xdc: {  	v7 =	vld [tilespmem:s22+$0xD200]  }
0xdd: {  	[tilespmem:s22+$0x1630] =	vst.add.f32.msk $0xffff, v9  }
0xde: {  	[tilespmem:s22+$0x1620] =	vst.add.f32.msk $0xffff, v8  }
0xdf: {  	[tilespmem:s22+$0x1210] =	vst.add.f32.msk $0xffff, v51  }
0xe0: {  	[tilespmem:s22+$0x1270] =	vst.add.f32.msk $0xffff, v52  }
0xe1: {  	[tilespmem:s22+$0x1610] =	vst.add.f32.msk $0xffff, v4  }
0xe2: {  	v4 =	vld [tilespmem:s22+$0xD230]  }
0xe3: {  	[tilespmem:s22+$0x1600] =	vst.add.f32.msk $0xffff, v5  }
0xe4: {  	v5 =	vld [tilespmem:s22+$0xD260]  }
0xe5: {  	[tilespmem:s22+$0x1250] =	vst.add.f32.msk $0xffff, v6  }
0xe6: {  	v6 =	vld [tilespmem:s22+$0xD240]  }
0xe7: {  	[tilespmem:s22+$0x1220] =	vst.add.f32.msk $0xffff, v10  }
0xe8: {  	[tilespmem:s22+$0x1200] =	vst.add.f32.msk $0xffff, v7  }
0xe9: {  	[tilespmem:s22+$0x1260] =	vst.add.f32.msk $0xffff, v5  }
0xea: {  	[tilespmem:s22+$0x1230] =	vst.add.f32.msk $0xffff, v4  }
0xeb: {  	s17 =	sadd.s32 s21, s0;
	[tilespmem:s22+$0x1240] =	vst.add.f32.msk $0xffff, v6  }
0xec: {  	v5 =	vld [tilespmem:s17+$0xDA00]  }
0xed: {  	v4 =	vld [tilespmem:s17+$0xDA10]  }
0xee: {  	v6 =	vld [tilespmem:s17+$0xDA20]  }
0xef: {  	v7 =	vld [tilespmem:s17+$0xDA30]  }
0xf0: {  	v8 =	vld [tilespmem:s17+$0xDA40]  }
0xf1: {  	v9 =	vld [tilespmem:s17+$0xDA50]  }
0xf2: {  	v10 =	vld [tilespmem:s17+$0xDA60]  }
0xf3: {  	v11 =	vld [tilespmem:s17+$0xDA70]  }
0xf4: {  	v12 =	vld [tilespmem:s17+$0xDE00]  }
0xf5: {  	v13 =	vld [tilespmem:s17+$0xDE10]  }
0xf6: {  	v14 =	vld [tilespmem:s17+$0xDE20]  }
0xf7: {  	v53 =	vld [tilespmem:s17+$0xDE30]  }
0xf8: {  	v15 =	vld [tilespmem:s17+$0xDE40]  }
0xf9: {  	v16 =	vld [tilespmem:s17+$0xDE50]  }
0xfa: {  	v17 =	vld [tilespmem:s17+$0xDE60]  }
0xfb: {  	v18 =	vld [tilespmem:s17+$0xDE70]  }
0xfc: {  	v19 =	vld [tilespmem:s17+$0xE200]  }
0xfd: {  	v54 =	vld [tilespmem:s17+$0xE210]  }
0xfe: {  	v55 =	vld [tilespmem:s17+$0xE230]  }
0xff: {  	v56 =	vld [tilespmem:s17+$0xE250]  }
0x100: {  	v57 =	vld [tilespmem:s17+$0xE260]  }
0x101: {  	v58 =	vld [tilespmem:s17+$0xE270]  }
0x102: {  	v59 =	vld [tilespmem:s17+$0xE610]  }
0x103: {  	v60 =	vld [tilespmem:s17+$0xE620]  }
0x104: {  	v61 =	vld [tilespmem:s17+$0xE630]  }
0x105: {  	v62 =	vld [tilespmem:s17+$0xE650]  }
0x106: {  	v63 =	vld [tilespmem:s17+$0xE670]  }
0x107: {  	[tilespmem:s17+$0x1A60] =	vst.add.f32.msk $0xffff, v10  }
0x108: {  	[tilespmem:s17+$0x1E40] =	vst.add.f32.msk $0xffff, v15  }
0x109: {  	[tilespmem:s17+$0x1A70] =	vst.add.f32.msk $0xffff, v11  }
0x10a: {  	[tilespmem:s17+$0x1E50] =	vst.add.f32.msk $0xffff, v16  }
0x10b: {  	[tilespmem:s17+$0x1E60] =	vst.add.f32.msk $0xffff, v17  }
0x10c: {  	[tilespmem:s17+$0x2200] =	vst.add.f32.msk $0xffff, v19  }
0x10d: {  	[tilespmem:s17+$0x1E20] =	vst.add.f32.msk $0xffff, v14  }
0x10e: {  	[tilespmem:s17+$0x1A30] =	vst.add.f32.msk $0xffff, v7  }
0x10f: {  	v7 =	vld [tilespmem:s17+$0xE220]  }
0x110: {  	[tilespmem:s17+$0x1E00] =	vst.add.f32.msk $0xffff, v12  }
0x111: {  	[tilespmem:s17+$0x1E10] =	vst.add.f32.msk $0xffff, v13  }
0x112: {  	[tilespmem:s17+$0x2210] =	vst.add.f32.msk $0xffff, v54  }
0x113: {  	[tilespmem:s17+$0x1A10] =	vst.add.f32.msk $0xffff, v4  }
0x114: {  	[tilespmem:s17+$0x2230] =	vst.add.f32.msk $0xffff, v55  }
0x115: {  	[tilespmem:s17+$0x1A40] =	vst.add.f32.msk $0xffff, v8  }
0x116: {  	v4 =	vld [tilespmem:s17+$0xE600]  }
0x117: {  	[tilespmem:s17+$0x1E30] =	vst.add.f32.msk $0xffff, v53  }
0x118: {  	[tilespmem:s17+$0x1A50] =	vst.add.f32.msk $0xffff, v9  }
0x119: {  	[tilespmem:s17+$0x1A20] =	vst.add.f32.msk $0xffff, v6  }
0x11a: {  	v6 =	vld [tilespmem:s17+$0xE640]  }
0x11b: {  	[tilespmem:s17+$0x2620] =	vst.add.f32.msk $0xffff, v60  }
0x11c: {  	[tilespmem:s17+$0x2260] =	vst.add.f32.msk $0xffff, v57  }
0x11d: {  	[tilespmem:s17+$0x2650] =	vst.add.f32.msk $0xffff, v62  }
0x11e: {  	[tilespmem:s17+$0x2630] =	vst.add.f32.msk $0xffff, v61  }
0x11f: {  	[tilespmem:s17+$0x2610] =	vst.add.f32.msk $0xffff, v59  }
0x120: {  	[tilespmem:s17+$0x2270] =	vst.add.f32.msk $0xffff, v58  }
0x121: {  	[tilespmem:s17+$0x2250] =	vst.add.f32.msk $0xffff, v56  }
0x122: {  	[tilespmem:s17+$0x1E70] =	vst.add.f32.msk $0xffff, v18  }
0x123: {  	[tilespmem:s17+$0x1A00] =	vst.add.f32.msk $0xffff, v5  }
0x124: {  	[tilespmem:s17+$0x2220] =	vst.add.f32.msk $0xffff, v7  }
0x125: {  	v7 =	vld [tilespmem:s17+$0xE240]  }
0x126: {  	[tilespmem:s17+$0x2600] =	vst.add.f32.msk $0xffff, v4  }
0x127: {  	v4 =	vld [tilespmem:s17+$0xE660]  }
0x128: {  	[tilespmem:s17+$0x2670] =	vst.add.f32.msk $0xffff, v63  }
0x129: {  	[tilespmem:s17+$0x2640] =	vst.add.f32.msk $0xffff, v6  }
0x12a: {  	s19 =	simm.s32 $0x1;
	s0 =	simm.s32 $0x0;
	[tilespmem:s17+$0x2240] =	vst.add.f32.msk $0xffff, v7  }
.LBB2_9:
0x12b: {  	s21 =	sshrl.u32 s19, $0x3  }
0x12c: {  	[tilespmem:s17+$0x2660] =	vst.add.f32.msk $0xffff, v4;
	s0 =	sadd.s32 $0x80, s0;
	s17 =	smov.u32 s19;
	s18 =	sadd.s32 $0x1, s19  }
0x12d: {  	p1 =	sne.s32 s19, $0xF;
	s17 =	smul.u32 $0x1800, s21;
	_ =	sdelay $0x1  }
0x12e: {  	s19 =	sand.u32 $0x380, s0;
	s17 =	sadd.s32 s2, s17  }
0x12f: {  	s21 =	sor.u32 s19, s17  }
0x130: {  	v4 =	vld [tilespmem:s21+$0xD670]  }
0x131: {  	v5 =	vld [tilespmem:s21+$0xD640]  }
0x132: {  	v6 =	vld [tilespmem:s21+$0xD660]  }
0x133: {  	v7 =	vld [tilespmem:s21+$0xD650]  }
0x134: {  	v8 =	vld [tilespmem:s21+$0xD620]  }
0x135: {  	v9 =	vld [tilespmem:s21+$0xD630]  }
0x136: {  	[tilespmem:s21+$0x1670] =	vst.add.f32.msk $0xffff, v4  }
0x137: {  	[tilespmem:s21+$0x1640] =	vst.add.f32.msk $0xffff, v5  }
0x138: {  	v4 =	vld [tilespmem:s21+$0xD610]  }
0x139: {  	[tilespmem:s21+$0x1660] =	vst.add.f32.msk $0xffff, v6  }
0x13a: {  	v5 =	vld [tilespmem:s21+$0xD600]  }
0x13b: {  	v6 =	vld [tilespmem:s21+$0xD250]  }
0x13c: {  	[tilespmem:s21+$0x1650] =	vst.add.f32.msk $0xffff, v7  }
0x13d: {  	v7 =	vld [tilespmem:s21+$0xD200]  }
0x13e: {  	[tilespmem:s21+$0x1630] =	vst.add.f32.msk $0xffff, v9  }
0x13f: {  	[tilespmem:s21+$0x1620] =	vst.add.f32.msk $0xffff, v8  }
0x140: {  	v8 =	vld [tilespmem:s21+$0xD210]  }
0x141: {  	[tilespmem:s21+$0x1610] =	vst.add.f32.msk $0xffff, v4  }
0x142: {  	v4 =	vld [tilespmem:s21+$0xD230]  }
0x143: {  	v9 =	vld [tilespmem:s21+$0xD270]  }
0x144: {  	[tilespmem:s21+$0x1600] =	vst.add.f32.msk $0xffff, v5  }
0x145: {  	v5 =	vld [tilespmem:s21+$0xD260]  }
0x146: {  	v10 =	vld [tilespmem:s21+$0xD220]  }
0x147: {  	[tilespmem:s21+$0x1250] =	vst.add.f32.msk $0xffff, v6  }
0x148: {  	[tilespmem:s21+$0x1210] =	vst.add.f32.msk $0xffff, v8  }
0x149: {  	v6 =	vld [tilespmem:s21+$0xD240]  }
0x14a: {  	[tilespmem:s21+$0x1270] =	vst.add.f32.msk $0xffff, v9  }
0x14b: {  	[tilespmem:s21+$0x1260] =	vst.add.f32.msk $0xffff, v5  }
0x14c: {  	[tilespmem:s21+$0x1200] =	vst.add.f32.msk $0xffff, v7  }
0x14d: {  	[tilespmem:s21+$0x1230] =	vst.add.f32.msk $0xffff, v4  }
0x14e: {  	[tilespmem:s21+$0x1240] =	vst.add.f32.msk $0xffff, v6  }
0x14f: {  	s17 =	sadd.s32 s19, s17;
	[tilespmem:s21+$0x1220] =	vst.add.f32.msk $0xffff, v10  }
0x150: {  	v5 =	vld [tilespmem:s17+$0xDA00]  }
0x151: {  	v4 =	vld [tilespmem:s17+$0xDA10]  }
0x152: {  	v6 =	vld [tilespmem:s17+$0xDA20]  }
0x153: {  	v7 =	vld [tilespmem:s17+$0xDA30]  }
0x154: {  	v8 =	vld [tilespmem:s17+$0xDA40]  }
0x155: {  	v9 =	vld [tilespmem:s17+$0xDA50]  }
0x156: {  	v10 =	vld [tilespmem:s17+$0xDA60]  }
0x157: {  	v11 =	vld [tilespmem:s17+$0xDA70]  }
0x158: {  	v12 =	vld [tilespmem:s17+$0xDE00]  }
0x159: {  	v13 =	vld [tilespmem:s17+$0xDE10]  }
0x15a: {  	v14 =	vld [tilespmem:s17+$0xDE20]  }
0x15b: {  	[tilespmem:s17+$0x1A60] =	vst.add.f32.msk $0xffff, v10  }
0x15c: {  	v10 =	vld [tilespmem:s17+$0xDE30]  }
0x15d: {  	v15 =	vld [tilespmem:s17+$0xDE40]  }
0x15e: {  	v16 =	vld [tilespmem:s17+$0xDE50]  }
0x15f: {  	v17 =	vld [tilespmem:s17+$0xDE60]  }
0x160: {  	v18 =	vld [tilespmem:s17+$0xDE70]  }
0x161: {  	v19 =	vld [tilespmem:s17+$0xE200]  }
0x162: {  	[tilespmem:s17+$0x1E40] =	vst.add.f32.msk $0xffff, v15  }
0x163: {  	[tilespmem:s17+$0x1A70] =	vst.add.f32.msk $0xffff, v11  }
0x164: {  	[tilespmem:s17+$0x1E50] =	vst.add.f32.msk $0xffff, v16  }
0x165: {  	[tilespmem:s17+$0x1E60] =	vst.add.f32.msk $0xffff, v17  }
0x166: {  	[tilespmem:s17+$0x2200] =	vst.add.f32.msk $0xffff, v19  }
0x167: {  	[tilespmem:s17+$0x1E20] =	vst.add.f32.msk $0xffff, v14  }
0x168: {  	v11 =	vld [tilespmem:s17+$0xE210]  }
0x169: {  	[tilespmem:s17+$0x1A30] =	vst.add.f32.msk $0xffff, v7  }
0x16a: {  	v7 =	vld [tilespmem:s17+$0xE220]  }
0x16b: {  	[tilespmem:s17+$0x1E00] =	vst.add.f32.msk $0xffff, v12  }
0x16c: {  	[tilespmem:s17+$0x1E10] =	vst.add.f32.msk $0xffff, v13  }
0x16d: {  	[tilespmem:s17+$0x2210] =	vst.add.f32.msk $0xffff, v11  }
0x16e: {  	v11 =	vld [tilespmem:s17+$0xE230]  }
0x16f: {  	[tilespmem:s17+$0x2220] =	vst.add.f32.msk $0xffff, v7  }
0x170: {  	[tilespmem:s17+$0x1A10] =	vst.add.f32.msk $0xffff, v4  }
0x171: {  	v7 =	vld [tilespmem:s17+$0xE240]  }
0x172: {  	v12 =	vld [tilespmem:s17+$0xE250]  }
0x173: {  	[tilespmem:s17+$0x2230] =	vst.add.f32.msk $0xffff, v11  }
0x174: {  	[tilespmem:s17+$0x1A40] =	vst.add.f32.msk $0xffff, v8  }
0x175: {  	v8 =	vld [tilespmem:s17+$0xE260]  }
0x176: {  	v11 =	vld [tilespmem:s17+$0xE270]  }
0x177: {  	v4 =	vld [tilespmem:s17+$0xE600]  }
0x178: {  	[tilespmem:s17+$0x1E30] =	vst.add.f32.msk $0xffff, v10  }
0x179: {  	v10 =	vld [tilespmem:s17+$0xE610]  }
0x17a: {  	[tilespmem:s17+$0x1A50] =	vst.add.f32.msk $0xffff, v9  }
0x17b: {  	v9 =	vld [tilespmem:s17+$0xE620]  }
0x17c: {  	[tilespmem:s17+$0x2600] =	vst.add.f32.msk $0xffff, v4  }
0x17d: {  	v13 =	vld [tilespmem:s17+$0xE630]  }
0x17e: {  	[tilespmem:s17+$0x1A20] =	vst.add.f32.msk $0xffff, v6  }
0x17f: {  	v6 =	vld [tilespmem:s17+$0xE640]  }
0x180: {  	[tilespmem:s17+$0x2620] =	vst.add.f32.msk $0xffff, v9  }
0x181: {  	v9 =	vld [tilespmem:s17+$0xE650]  }
0x182: {  	v4 =	vld [tilespmem:s17+$0xE660]  }
0x183: {  	v14 =	vld [tilespmem:s17+$0xE670]  }
0x184: {  	[tilespmem:s17+$0x2260] =	vst.add.f32.msk $0xffff, v8  }
0x185: {  	[tilespmem:s17+$0x2640] =	vst.add.f32.msk $0xffff, v6  }
0x186: {  	[tilespmem:s17+$0x2650] =	vst.add.f32.msk $0xffff, v9  }
0x187: {  	[tilespmem:s17+$0x2630] =	vst.add.f32.msk $0xffff, v13  }
0x188: {  	[tilespmem:s17+$0x2610] =	vst.add.f32.msk $0xffff, v10  }
0x189: {  	[tilespmem:s17+$0x2270] =	vst.add.f32.msk $0xffff, v11  }
.Ltmp4:
0x18a: {  	[tilespmem:s17+$0x2240] =	vst.add.f32.msk $0xffff, v7;
	(pc) =	sbr.rel @p1 .LBB2_9-.Ltmp4, $4  }
0x18b: {  	[tilespmem:s17+$0x2250] =	vst.add.f32.msk $0xffff, v12  }
0x18c: {  	[tilespmem:s17+$0x1E70] =	vst.add.f32.msk $0xffff, v18  }
0x18d: {  	[tilespmem:s17+$0x1A00] =	vst.add.f32.msk $0xffff, v5  }
0x18e: {  	s19 =	smov.u32 s18;
	[tilespmem:s17+$0x2670] =	vst.add.f32.msk $0xffff, v14  }
0x18f: {  	s0 =	sshll.u32 s31, $0x4;
	s31 =	sadd.s32 $0x1, s31  }
0x190: {  	s0 =	sadd.s32 s6, s0;
	p1 =	sne.s32 s31, $0x20  }
.Ltmp5:
0x191: {  	s0 =	sshrl.u32 s0, $0x3;
	(pc) =	sbr.rel @p1 .LBB2_8-.Ltmp5, $3  }
0x192: {  	s0 =	smul.u32 $0x300, s0;
	_ =	sdelay $0x1  }
0x193: {  	[tilespmem:s17+$0x2660] =	vst.add.f32.msk $0xffff, v4;
	s2 =	sadd.s32 $0x1200, s2;
	s0 =	sadd.s32 s4, s0  }
0x194: {  	[hbm4b:s0+s5] =	stream.linear.scatter [tilespmem:s2], [sflag:$0x3], $0x3000, $0x38;
	[tilespmem:$0x19200] =	vst v63  }
0x195: {  	_ =	swait.ge [sflag:s28], $0x3000  }
0x196: {  	[sflag:s28] =	ssyncset.done $0x0  }
0x197: {  	[sflag:s28] =	ssyncadd.s32 $0xFFFFD000  }
0x198: {  	_ =	swait.ge [sflag:s28], $0x3000  }
0x199: {  	[sflag:s28] =	ssyncset.done $0x0  }
0x19a: {  	s29 =	sadd.s32 $0x1, s29;
	[sflag:s28] =	ssyncadd.s32 $0xFFFFD000  }
0x19b: {  	p1 =	sne.s32 s29, s16;
	_ =	swait.ge [sflag:s28], $0x3000  }
.Ltmp6:
0x19c: {  	[sflag:s28] =	ssyncset.done $0x0;
	(pc) =	sbr.rel @p1 .LBB2_1-.Ltmp6, $4  }
0x19d: {  	[sflag:s28] =	ssyncadd.s32 $0xFFFFD000  }
0x19e: {  	_ =	swait.ge [sflag:s28], $0x3000  }
0x19f: {  	[sflag:s28] =	ssyncset.done $0x0  }
0x1a0: {  	[sflag:s28] =	ssyncadd.s32 $0xFFFFD000  }
0x1a1: {  	_ =	sfence.sel $0x180000  }
0x1a2: {  	[bflag:$0x0] =	sbarrier.arrive $0xFFFF  }
0x1a3: {  	_ =	strace $0x90000047  }
0x1a4: {  	s0 =	stileid.u32;
	[bflag:$0x2] =	sbarrier.arrive $0xFFFF  }
0x1a5: {  	p0 =	sne.s32 s0, $0x0;
	s0 =	rddreg [dreg:$0x4]  }
0x1a6: {  	s0 =	sadd.s32 @!p0 $0x100000, s0  }
0x1a7: {  	[sflag:s0] =	ssyncadd.tile.s32 @!p0 $0x1;
	_ =	shalt  }
.Lfunc_end2:
_tile_overlayer_lowered:
.L_overlay_start_2:
0x1a8: {  	(tag) =	ssettag $0x2  }
0x1a9: {  	s0 =	rddreg [dreg:$0x0];
	s2 =	stileid.u32  }
0x1aa: {  	s1 =	rddreg [dreg:$0x1];
	p0 =	sne.s32 s2, $0x0  }
0x1ab: {  	s3 =	rddreg [dreg:$0x2];
	[bflag:$0x3] =	sbarrier.arrive $0xFFFF;
	s2 =	simm.s32 @!p0 $0x1C04  }
0x1ac: {  	[timem:s3], [sflag:s2] =	dma.local @!p0 [hbm:s0], s1  }
0x1ad: {  	s0 =	simm.s32 @!p0 $0x4  }
0x1ae: {  	_ =	swait.ge @!p0 [sflag:s0], s1  }
0x1af: {  	s1 =	ssub.s32 @!p0 $0x0, s1;
	[sflag:s0] =	ssyncset.done @!p0 $0x0  }
0x1b0: {  	[sflag:s0] =	ssyncadd.s32 @!p0 s1  }
0x1b1: {  	[bflag:$0x3] =	sbarrier.arrive $0xFFFF  }
0x1b2: {  	_ =	shalt  }

</sc_bundles>
